<compile_context>
chip_gen: v7x
topology: tpu7x:2x2x1
jax: 0.10.2.dev20260603
libtpu: 0.0.44.dev20260713+nightly
codegen_flags: <defaults>
</compile_context>

<pallas_src>
import functools

import jax
import jax.numpy as jnp
import numpy as np
from jax import lax
from jax.experimental import pallas as pl
from jax.experimental.pallas import tpu as pltpu
from jax.experimental.pallas import tpu_sc as plsc

_KS0 = 0
_KS1 = 42
_KS2 = 0x1BD11BDA ^ _KS0 ^ _KS1
_ROT_A = (13, 15, 26, 6)
_ROT_B = (17, 29, 16, 24)

_FLIP_BITS_THRESHOLD = 838861 * 512


def _rotl(x, r):
    return (x << r) | (x >> (32 - r))


def _flip_mask_from_index(idx_u32):
    u32 = lambda v: jnp.uint32(v & 0xFFFFFFFF)
    x1 = idx_u32 + u32(_KS1)
    x0 = x1
    x1 = _rotl(x1, _ROT_A[0]) ^ x0
    for r in _ROT_A[1:]:
        x0 = x0 + x1
        x1 = _rotl(x1, r) ^ x0
    x0 = x0 + u32(_KS1)
    x1 = x1 + u32(_KS2 + 1)
    for r in _ROT_B:
        x0 = x0 + x1
        x1 = _rotl(x1, r) ^ x0
    x0 = x0 + u32(_KS2)
    x1 = x1 + u32(_KS0 + 2)
    for r in _ROT_A:
        x0 = x0 + x1
        x1 = _rotl(x1, r) ^ x0
    x1 = x1 + u32(_KS1 + 3)
    for r in _ROT_B:
        x0 = x0 + x1
        x1 = _rotl(x1, r) ^ x0
    x0 = x0 + u32(_KS1)
    x1 = x1 + u32(_KS2 + 4)
    for r in _ROT_A:
        x0 = x0 + x1
        x1 = _rotl(x1, r) ^ x0
    x0 = x0 + u32(_KS2)
    x1 = x1 + u32(_KS0 + 5)
    bits = x0 ^ x1
    return bits < jnp.uint32(_FLIP_BITS_THRESHOLD)


_NC = 2
_NS = 16
_NW = _NC * _NS
_LANES = 16

_B, _N = 32, 262144
_TOTAL = _B * _N
_LOG2_N = 18

_B_TC = 24
_B_SC = _B - _B_TC

_SC_TOTAL = _B_SC * _N
_PER_W = _SC_TOTAL // _NW
_W_PER_ROW = _N // _PER_W
_CHUNK = 16384
_NCHUNK = _PER_W // _CHUNK


def _sc_flip(p):
    mesh = plsc.VectorSubcoreMesh(core_axis_name="c", subcore_axis_name="s")

    @functools.partial(
        pl.kernel,
        out_type=jax.ShapeDtypeStruct((_B_SC, _N), jnp.float32),
        mesh=mesh,
        scratch_types=[pltpu.VMEM((_CHUNK,), jnp.float32)],
    )
    def body(p_hbm, out_hbm, buf):
        wid = lax.axis_index("s") * _NC + lax.axis_index("c")
        row_sc = wid // _W_PER_ROW
        colbase = (wid % _W_PER_ROW) * _PER_W
        row_flat_base = (_B_TC + row_sc) << _LOG2_N
        iota16 = lax.iota(jnp.int32, _LANES)

        def chunk_body(ci, carry):
            col = colbase + ci * _CHUNK
            pltpu.sync_copy(p_hbm.at[_B_TC + row_sc, pl.ds(col, _CHUNK)], buf)

            def vec_body(i, carry2):
                off = i * _LANES
                idx = lax.convert_element_type(
                    row_flat_base + col + off + iota16, jnp.uint32)
                flip = _flip_mask_from_index(idx)
                pv = buf[pl.ds(off, _LANES)]
                buf[pl.ds(off, _LANES)] = jnp.where(
                    flip, jnp.float32(1.0) - pv, pv)
                return carry2

            lax.fori_loop(0, _CHUNK // _LANES, vec_body, 0, unroll=2)
            pltpu.sync_copy(buf, out_hbm.at[row_sc, pl.ds(col, _CHUNK)])
            return carry

        lax.fori_loop(0, _NCHUNK, chunk_body, 0, unroll=False)

    return body(p)


_TC_BR = 8
_TC_BC = 32768


def _tc_flip(p):

    def body(p_ref, o_ref):
        i = pl.program_id(0)
        j = pl.program_id(1)
        rows = lax.broadcasted_iota(jnp.int32, (_TC_BR, _TC_BC), 0)
        cols = lax.broadcasted_iota(jnp.int32, (_TC_BR, _TC_BC), 1)
        idx = ((i * _TC_BR + rows) << _LOG2_N) + j * _TC_BC + cols
        flip = _flip_mask_from_index(lax.convert_element_type(idx, jnp.uint32))
        pv = p_ref[...]
        o_ref[...] = jnp.where(flip, jnp.float32(1.0) - pv, pv)

    return pl.pallas_call(
        body,
        grid=(_B_TC // _TC_BR, _N // _TC_BC),
        in_specs=[pl.BlockSpec((_TC_BR, _TC_BC), lambda i, j: (i, j))],
        out_specs=pl.BlockSpec((_TC_BR, _TC_BC), lambda i, j: (i, j)),
        out_shape=jax.ShapeDtypeStruct((_B, _N), jnp.float32),
        compiler_params=pltpu.CompilerParams(
            dimension_semantics=("parallel", "parallel")),
    )(p)


def kernel(p, y, x, t, valid_mask, target):
    sc_out = _sc_flip(p)
    tc_full = _tc_flip(p)
    p_new = lax.dynamic_update_slice(tc_full, sc_out, (_B_TC, 0))
    return (p_new, y, x, t, valid_mask, target)

# --- scband reference (transcript-rebuilt; emitter-appended) ---
"""Pipeline reference for scband-random-polarity-flip-27238682591602 (READ-ONLY COPY).

The authoritative reference and input builder live on the scoring server;
editing this copy changes nothing except your own understanding.
"""

import jax, jax.numpy as jnp
import numpy as np

P_FLIP = 0.1


def setup_inputs(seed: int = 0) -> dict:
    key = jax.random.key(seed)
    k1, k2, k3, k4, k5 = jax.random.split(key, 5)
    B, N = 32, 262144
    p = jax.random.uniform(k1, (B, N), dtype=jnp.float32)
    y = jax.random.uniform(k2, (B, N), dtype=jnp.float32)
    x = jax.random.uniform(k3, (B, N), dtype=jnp.float32)
    t = jax.random.uniform(k4, (B, N), dtype=jnp.float32)
    valid_mask = jnp.ones((B, N), dtype=bool)
    target = jax.random.normal(k5, (B, 128), dtype=jnp.float32)
    return {"p": p, "y": y, "x": x, "t": t, "valid_mask": valid_mask, "target": target}


def reference(p, y, x, t, valid_mask, target):
    # mask = torch.rand_like(p) < p_flip; mask &= valid_mask; p[mask] = 1 - p[mask]
    rkey = jax.random.key(42)
    r = jax.random.uniform(rkey, p.shape, dtype=p.dtype)
    mask = (r < P_FLIP) & valid_mask
    p_new = jnp.where(mask, 1.0 - p, p)
    return (p_new, y, x, t, valid_mask, target)

if __name__ == "__main__":
    import jax
    _d = setup_inputs()
    print(jax.jit(kernel)(*tuple(_d.values())))

</pallas_src>

<mosaic_0001>
#map = affine_map<(d0, d1) -> (0, 0)>
module attributes {stable_mosaic.version = 14 : i64} {
  func.func @body(%arg0: i32, %arg1: i32, %arg2: memref<32x262144xf32, #tpu.memory_space<hbm>>, %arg3: memref<8x262144xf32, #tpu.memory_space<hbm>>, %arg4: memref<16384xf32, #tpu.memory_space<vmem>>) attributes {dimension_semantics = [#tpu.dimension_semantics<core_parallel>, #tpu.dimension_semantics<subcore_parallel>], iteration_bounds = array<i64: 2, 16>, scalar_prefetch = 0 : i64, scratch_operands = 1 : i64, tpu.core_type = #tpu.core_type<sc_vector_subcore>, window_params = [{transform_indices = #map}, {transform_indices = #map}]} {
    %mul3A = arith.constant 2 : i32
    %mul3A_0 = arith.muli %arg1, %mul3A : i32
    %add3A = arith.addi %mul3A_0, %arg0 : i32
    %jit3A = arith.constant 4 : i32
    %div3A = arith.divsi %add3A, %jit3A : i32
    %sign3A = arith.constant 0 : i32
    %sign3A_1 = arith.cmpi sgt, %add3A, %sign3A : i32
    %sign3A_2 = arith.extui %sign3A_1 : i1 to i32
    %sign3A_3 = arith.constant 0 : i32
    %sign3A_4 = arith.cmpi slt, %add3A, %sign3A_3 : i32
    %sign3A_5 = arith.extui %sign3A_4 : i1 to i32
    %sign3A_6 = arith.subi %sign3A_2, %sign3A_5 : i32
    %sign3A_7 = arith.constant 0 : i32
    %sign3A_8 = arith.cmpi sgt, %jit3A, %sign3A_7 : i32
    %sign3A_9 = arith.extui %sign3A_8 : i1 to i32
    %sign3A_10 = arith.constant 0 : i32
    %sign3A_11 = arith.cmpi slt, %jit3A, %sign3A_10 : i32
    %sign3A_12 = arith.extui %sign3A_11 : i1 to i32
    %sign3A_13 = arith.subi %sign3A_9, %sign3A_12 : i32
    %ne3A = arith.cmpi ne, %sign3A_6, %sign3A_13 : i32
    %rem3A = arith.remsi %add3A, %jit3A : i32
    %ne3A_14 = arith.constant 0 : i32
    %ne3A_15 = arith.cmpi ne, %rem3A, %ne3A_14 : i32
    %and3A = arith.andi %ne3A, %ne3A_15 : i1
    %sub3A = arith.constant 1 : i32
    %sub3A_16 = arith.subi %div3A, %sub3A : i32
    %select_n3A = arith.select %and3A, %sub3A_16, %div3A : i32
    %jit3A_17 = arith.constant 4 : i32
    %eq3A = arith.constant 0 : i32
    %eq3A_18 = arith.cmpi eq, %jit3A_17, %eq3A : i32
    %jit3A_19 = arith.constant 1 : i32
    %select_n3A_20 = arith.select %eq3A_18, %jit3A_19, %jit3A_17 : i32
    %rem3A_21 = arith.remsi %add3A, %select_n3A_20 : i32
    %ne3A_22 = arith.constant 0 : i32
    %ne3A_23 = arith.cmpi ne, %rem3A_21, %ne3A_22 : i32
    %lt3A = arith.constant 0 : i32
    %lt3A_24 = arith.cmpi slt, %rem3A_21, %lt3A : i32
    %lt3A_25 = arith.constant 0 : i32
    %lt3A_26 = arith.cmpi slt, %select_n3A_20, %lt3A_25 : i32
    %ne3A_27 = arith.xori %lt3A_24, %lt3A_26 : i1
    %and3A_28 = arith.andi %ne3A_27, %ne3A_23 : i1
    %add3A_29 = arith.addi %rem3A_21, %select_n3A_20 : i32
    %select_n3A_30 = arith.select %and3A_28, %add3A_29, %rem3A_21 : i32
    %mul3A_31 = arith.constant 65536 : i32
    %mul3A_32 = arith.muli %select_n3A_30, %mul3A_31 : i32
    %add3A_33 = arith.constant 24 : i32
    %add3A_34 = arith.addi %add3A_33, %select_n3A : i32
    %shift_left3A = arith.constant 18 : i32
    %shift_left3A_35 = arith.shli %add3A_34, %shift_left3A : i32
    %iota3A = tpu.iota {dimensions = array<i32: 0>} : vector<16xi32>
    %scan3A = arith.constant 0 : i32
    %scan3A_36 = arith.constant 0 : i32
    %scan3A_37 = arith.constant 4 : i32
    %scan3A_38 = arith.addi %scan3A_36, %scan3A_37 : i32
    %scan3A_39 = arith.constant 1 : i32
    scf.for %scan3A_41 = %scan3A_36 to %scan3A_38 step %scan3A_39  : i32 {
      %mul3A_42 = arith.constant 16384 : i32
      %mul3A_43 = arith.muli %scan3A_41, %mul3A_42 : i32
      %add3A_44 = arith.addi %mul3A_32, %mul3A_43 : i32
      %add3A_45 = arith.constant 24 : i32
      %add3A_46 = arith.addi %add3A_45, %select_n3A : i32
      "tpu.region"() ({
        %run_scoped3A = tpu.sem_alloc : memref<!tpu.dma_semaphore, #tpu.memory_space<semaphore_mem>>
        %dma_start3A = tpu.memref_slice %arg2[%add3A_46, %add3A_44] : memref<32x262144xf32, #tpu.memory_space<hbm>> -> memref<1x16384xf32, #tpu.memory_space<hbm>>
        %dma_start3A_53 = tpu.memref_squeeze %dma_start3A : memref<1x16384xf32, #tpu.memory_space<hbm>> -> memref<16384xf32, #tpu.memory_space<hbm>>
        %dma_start3A_54 = tpu.memref_slice %arg2[%add3A_46, %add3A_44] : memref<32x262144xf32, #tpu.memory_space<hbm>> -> memref<1x16384xf32, #tpu.memory_space<hbm>>
        %dma_start3A_55 = tpu.memref_squeeze %dma_start3A_54 : memref<1x16384xf32, #tpu.memory_space<hbm>> -> memref<16384xf32, #tpu.memory_space<hbm>>
        tpu.enqueue_dma source(%dma_start3A_55 : memref<16384xf32, #tpu.memory_space<hbm>>) target(%arg4 : memref<16384xf32, #tpu.memory_space<vmem>>) target_semaphore(%run_scoped3A : memref<!tpu.dma_semaphore, #tpu.memory_space<semaphore_mem>>)
        %dma_wait3A = tpu.memref_slice %arg2[%add3A_46, %add3A_44] : memref<32x262144xf32, #tpu.memory_space<hbm>> -> memref<1x16384xf32, #tpu.memory_space<hbm>>
        %dma_wait3A_56 = tpu.memref_squeeze %dma_wait3A : memref<1x16384xf32, #tpu.memory_space<hbm>> -> memref<16384xf32, #tpu.memory_space<hbm>>
        %dma_wait3A_57 = tpu.memref_slice %arg2[%add3A_46, %add3A_44] : memref<32x262144xf32, #tpu.memory_space<hbm>> -> memref<1x16384xf32, #tpu.memory_space<hbm>>
        %dma_wait3A_58 = tpu.memref_squeeze %dma_wait3A_57 : memref<1x16384xf32, #tpu.memory_space<hbm>> -> memref<16384xf32, #tpu.memory_space<hbm>>
        tpu.wait_dma2 semaphore(%run_scoped3A : memref<!tpu.dma_semaphore, #tpu.memory_space<semaphore_mem>>) src(%dma_wait3A_58 : memref<16384xf32, #tpu.memory_space<hbm>>) dst(%arg4 : memref<16384xf32, #tpu.memory_space<vmem>>)
        tpu.yield
      }) : () -> ()
      %scan3A_47 = arith.constant 0 : i32
      %scan3A_48 = arith.constant 0 : i32
      %scan3A_49 = arith.constant 1024 : i32
      %scan3A_50 = arith.addi %scan3A_48, %scan3A_49 : i32
      %scan3A_51 = arith.constant 2 : i32
      scf.for %scan3A_53 = %scan3A_48 to %scan3A_50 step %scan3A_51  : i32 {
        %mul3A_54 = arith.constant 16 : i32
        %mul3A_55 = arith.muli %scan3A_53, %mul3A_54 : i32
        %add3A_56 = arith.addi %shift_left3A_35, %add3A_44 : i32
        %add3A_57 = arith.addi %add3A_56, %mul3A_55 : i32
        %add3A_58 = vector.broadcast %add3A_57 : i32 to vector<16xi32>
        %add3A_59 = arith.addi %add3A_58, %iota3A : vector<16xi32>
        %add3A_60 = arith.constant 42 : i32
        %add3A_61 = vector.broadcast %add3A_60 : i32 to vector<16xi32>
        %add3A_62 = arith.addi %add3A_59, %add3A_61 : vector<16xi32>
        %shift_left3A_63 = arith.constant 13 : i32
        %shift_left3A_64 = vector.broadcast %shift_left3A_63 : i32 to vector<16xi32>
        %shift_left3A_65 = arith.shli %add3A_62, %shift_left3A_64 : vector<16xi32>
        %shift_right_logical3A = arith.constant 19 : i32
        %shift_right_logical3A_66 = vector.broadcast %shift_right_logical3A : i32 to vector<16xi32>
        %shift_right_logical3A_67 = arith.shrui %add3A_62, %shift_right_logical3A_66 : vector<16xi32>
        %or3A = arith.ori %shift_left3A_65, %shift_right_logical3A_67 : vector<16xi32>
        %xor3A = arith.xori %or3A, %add3A_62 : vector<16xi32>
        %add3A_68 = arith.addi %add3A_62, %xor3A : vector<16xi32>
        %shift_left3A_69 = arith.constant 15 : i32
        %shift_left3A_70 = vector.broadcast %shift_left3A_69 : i32 to vector<16xi32>
        %shift_left3A_71 = arith.shli %xor3A, %shift_left3A_70 : vector<16xi32>
        %shift_right_logical3A_72 = arith.constant 17 : i32
        %shift_right_logical3A_73 = vector.broadcast %shift_right_logical3A_72 : i32 to vector<16xi32>
        %shift_right_logical3A_74 = arith.shrui %xor3A, %shift_right_logical3A_73 : vector<16xi32>
        %or3A_75 = arith.ori %shift_left3A_71, %shift_right_logical3A_74 : vector<16xi32>
        %xor3A_76 = arith.xori %or3A_75, %add3A_68 : vector<16xi32>
        %add3A_77 = arith.addi %add3A_68, %xor3A_76 : vector<16xi32>
        %shift_left3A_78 = arith.constant 26 : i32
        %shift_left3A_79 = vector.broadcast %shift_left3A_78 : i32 to vector<16xi32>
        %shift_left3A_80 = arith.shli %xor3A_76, %shift_left3A_79 : vector<16xi32>
        %shift_right_logical3A_81 = arith.constant 6 : i32
        %shift_right_logical3A_82 = vector.broadcast %shift_right_logical3A_81 : i32 to vector<16xi32>
        %shift_right_logical3A_83 = arith.shrui %xor3A_76, %shift_right_logical3A_82 : vector<16xi32>
        %or3A_84 = arith.ori %shift_left3A_80, %shift_right_logical3A_83 : vector<16xi32>
        %xor3A_85 = arith.xori %or3A_84, %add3A_77 : vector<16xi32>
        %add3A_86 = arith.addi %add3A_77, %xor3A_85 : vector<16xi32>
        %shift_left3A_87 = arith.constant 6 : i32
        %shift_left3A_88 = vector.broadcast %shift_left3A_87 : i32 to vector<16xi32>
        %shift_left3A_89 = arith.shli %xor3A_85, %shift_left3A_88 : vector<16xi32>
        %shift_right_logical3A_90 = arith.constant 26 : i32
        %shift_right_logical3A_91 = vector.broadcast %shift_right_logical3A_90 : i32 to vector<16xi32>
        %shift_right_logical3A_92 = arith.shrui %xor3A_85, %shift_right_logical3A_91 : vector<16xi32>
        %or3A_93 = arith.ori %shift_left3A_89, %shift_right_logical3A_92 : vector<16xi32>
        %xor3A_94 = arith.xori %or3A_93, %add3A_86 : vector<16xi32>
        %add3A_95 = arith.constant 42 : i32
        %add3A_96 = vector.broadcast %add3A_95 : i32 to vector<16xi32>
        %add3A_97 = arith.addi %add3A_86, %add3A_96 : vector<16xi32>
        %add3A_98 = arith.constant 466689009 : i32
        %add3A_99 = vector.broadcast %add3A_98 : i32 to vector<16xi32>
        %add3A_100 = arith.addi %xor3A_94, %add3A_99 : vector<16xi32>
        %add3A_101 = arith.addi %add3A_97, %add3A_100 : vector<16xi32>
        %shift_left3A_102 = arith.constant 17 : i32
        %shift_left3A_103 = vector.broadcast %shift_left3A_102 : i32 to vector<16xi32>
        %shift_left3A_104 = arith.shli %add3A_100, %shift_left3A_103 : vector<16xi32>
        %shift_right_logical3A_105 = arith.constant 15 : i32
        %shift_right_logical3A_106 = vector.broadcast %shift_right_logical3A_105 : i32 to vector<16xi32>
        %shift_right_logical3A_107 = arith.shrui %add3A_100, %shift_right_logical3A_106 : vector<16xi32>
        %or3A_108 = arith.ori %shift_left3A_104, %shift_right_logical3A_107 : vector<16xi32>
        %xor3A_109 = arith.xori %or3A_108, %add3A_101 : vector<16xi32>
        %add3A_110 = arith.addi %add3A_101, %xor3A_109 : vector<16xi32>
        %shift_left3A_111 = arith.constant 29 : i32
        %shift_left3A_112 = vector.broadcast %shift_left3A_111 : i32 to vector<16xi32>
        %shift_left3A_113 = arith.shli %xor3A_109, %shift_left3A_112 : vector<16xi32>
        %shift_right_logical3A_114 = arith.constant 3 : i32
        %shift_right_logical3A_115 = vector.broadcast %shift_right_logical3A_114 : i32 to vector<16xi32>
        %shift_right_logical3A_116 = arith.shrui %xor3A_109, %shift_right_logical3A_115 : vector<16xi32>
        %or3A_117 = arith.ori %shift_left3A_113, %shift_right_logical3A_116 : vector<16xi32>
        %xor3A_118 = arith.xori %or3A_117, %add3A_110 : vector<16xi32>
        %add3A_119 = arith.addi %add3A_110, %xor3A_118 : vector<16xi32>
        %shift_left3A_120 = arith.constant 16 : i32
        %shift_left3A_121 = vector.broadcast %shift_left3A_120 : i32 to vector<16xi32>
        %shift_left3A_122 = arith.shli %xor3A_118, %shift_left3A_121 : vector<16xi32>
        %shift_right_logical3A_123 = arith.constant 16 : i32
        %shift_right_logical3A_124 = vector.broadcast %shift_right_logical3A_123 : i32 to vector<16xi32>
        %shift_right_logical3A_125 = arith.shrui %xor3A_118, %shift_right_logical3A_124 : vector<16xi32>
        %or3A_126 = arith.ori %shift_left3A_122, %shift_right_logical3A_125 : vector<16xi32>
        %xor3A_127 = arith.xori %or3A_126, %add3A_119 : vector<16xi32>
        %add3A_128 = arith.addi %add3A_119, %xor3A_127 : vector<16xi32>
        %shift_left3A_129 = arith.constant 24 : i32
        %shift_left3A_130 = vector.broadcast %shift_left3A_129 : i32 to vector<16xi32>
        %shift_left3A_131 = arith.shli %xor3A_127, %shift_left3A_130 : vector<16xi32>
        %shift_right_logical3A_132 = arith.constant 8 : i32
        %shift_right_logical3A_133 = vector.broadcast %shift_right_logical3A_132 : i32 to vector<16xi32>
        %shift_right_logical3A_134 = arith.shrui %xor3A_127, %shift_right_logical3A_133 : vector<16xi32>
        %or3A_135 = arith.ori %shift_left3A_131, %shift_right_logical3A_134 : vector<16xi32>
        %xor3A_136 = arith.xori %or3A_135, %add3A_128 : vector<16xi32>
        %add3A_137 = arith.constant 466689008 : i32
        %add3A_138 = vector.broadcast %add3A_137 : i32 to vector<16xi32>
        %add3A_139 = arith.addi %add3A_128, %add3A_138 : vector<16xi32>
        %add3A_140 = arith.constant 2 : i32
        %add3A_141 = vector.broadcast %add3A_140 : i32 to vector<16xi32>
        %add3A_142 = arith.addi %xor3A_136, %add3A_141 : vector<16xi32>
        %add3A_143 = arith.addi %add3A_139, %add3A_142 : vector<16xi32>
        %shift_left3A_144 = arith.constant 13 : i32
        %shift_left3A_145 = vector.broadcast %shift_left3A_144 : i32 to vector<16xi32>
        %shift_left3A_146 = arith.shli %add3A_142, %shift_left3A_145 : vector<16xi32>
        %shift_right_logical3A_147 = arith.constant 19 : i32
        %shift_right_logical3A_148 = vector.broadcast %shift_right_logical3A_147 : i32 to vector<16xi32>
        %shift_right_logical3A_149 = arith.shrui %add3A_142, %shift_right_logical3A_148 : vector<16xi32>
        %or3A_150 = arith.ori %shift_left3A_146, %shift_right_logical3A_149 : vector<16xi32>
        %xor3A_151 = arith.xori %or3A_150, %add3A_143 : vector<16xi32>
        %add3A_152 = arith.addi %add3A_143, %xor3A_151 : vector<16xi32>
        %shift_left3A_153 = arith.constant 15 : i32
        %shift_left3A_154 = vector.broadcast %shift_left3A_153 : i32 to vector<16xi32>
        %shift_left3A_155 = arith.shli %xor3A_151, %shift_left3A_154 : vector<16xi32>
        %shift_right_logical3A_156 = arith.constant 17 : i32
        %shift_right_logical3A_157 = vector.broadcast %shift_right_logical3A_156 : i32 to vector<16xi32>
        %shift_right_logical3A_158 = arith.shrui %xor3A_151, %shift_right_logical3A_157 : vector<16xi32>
        %or3A_159 = arith.ori %shift_left3A_155, %shift_right_logical3A_158 : vector<16xi32>
        %xor3A_160 = arith.xori %or3A_159, %add3A_152 : vector<16xi32>
        %add3A_161 = arith.addi %add3A_152, %xor3A_160 : vector<16xi32>
        %shift_left3A_162 = arith.constant 26 : i32
        %shift_left3A_163 = vector.broadcast %shift_left3A_162 : i32 to vector<16xi32>
        %shift_left3A_164 = arith.shli %xor3A_160, %shift_left3A_163 : vector<16xi32>
        %shift_right_logical3A_165 = arith.constant 6 : i32
        %shift_right_logical3A_166 = vector.broadcast %shift_right_logical3A_165 : i32 to vector<16xi32>
        %shift_right_logical3A_167 = arith.shrui %xor3A_160, %shift_right_logical3A_166 : vector<16xi32>
        %or3A_168 = arith.ori %shift_left3A_164, %shift_right_logical3A_167 : vector<16xi32>
        %xor3A_169 = arith.xori %or3A_168, %add3A_161 : vector<16xi32>
        %add3A_170 = arith.addi %add3A_161, %xor3A_169 : vector<16xi32>
        %shift_left3A_171 = arith.constant 6 : i32
        %shift_left3A_172 = vector.broadcast %shift_left3A_171 : i32 to vector<16xi32>
        %shift_left3A_173 = arith.shli %xor3A_169, %shift_left3A_172 : vector<16xi32>
        %shift_right_logical3A_174 = arith.constant 26 : i32
        %shift_right_logical3A_175 = vector.broadcast %shift_right_logical3A_174 : i32 to vector<16xi32>
        %shift_right_logical3A_176 = arith.shrui %xor3A_169, %shift_right_logical3A_175 : vector<16xi32>
        %or3A_177 = arith.ori %shift_left3A_173, %shift_right_logical3A_176 : vector<16xi32>
        %xor3A_178 = arith.xori %or3A_177, %add3A_170 : vector<16xi32>
        %add3A_179 = arith.constant 45 : i32
        %add3A_180 = vector.broadcast %add3A_179 : i32 to vector<16xi32>
        %add3A_181 = arith.addi %xor3A_178, %add3A_180 : vector<16xi32>
        %add3A_182 = arith.addi %add3A_170, %add3A_181 : vector<16xi32>
        %shift_left3A_183 = arith.constant 17 : i32
        %shift_left3A_184 = vector.broadcast %shift_left3A_183 : i32 to vector<16xi32>
        %shift_left3A_185 = arith.shli %add3A_181, %shift_left3A_184 : vector<16xi32>
        %shift_right_logical3A_186 = arith.constant 15 : i32
        %shift_right_logical3A_187 = vector.broadcast %shift_right_logical3A_186 : i32 to vector<16xi32>
        %shift_right_logical3A_188 = arith.shrui %add3A_181, %shift_right_logical3A_187 : vector<16xi32>
        %or3A_189 = arith.ori %shift_left3A_185, %shift_right_logical3A_188 : vector<16xi32>
        %xor3A_190 = arith.xori %or3A_189, %add3A_182 : vector<16xi32>
        %add3A_191 = arith.addi %add3A_182, %xor3A_190 : vector<16xi32>
        %shift_left3A_192 = arith.constant 29 : i32
        %shift_left3A_193 = vector.broadcast %shift_left3A_192 : i32 to vector<16xi32>
        %shift_left3A_194 = arith.shli %xor3A_190, %shift_left3A_193 : vector<16xi32>
        %shift_right_logical3A_195 = arith.constant 3 : i32
        %shift_right_logical3A_196 = vector.broadcast %shift_right_logical3A_195 : i32 to vector<16xi32>
        %shift_right_logical3A_197 = arith.shrui %xor3A_190, %shift_right_logical3A_196 : vector<16xi32>
        %or3A_198 = arith.ori %shift_left3A_194, %shift_right_logical3A_197 : vector<16xi32>
        %xor3A_199 = arith.xori %or3A_198, %add3A_191 : vector<16xi32>
        %add3A_200 = arith.addi %add3A_191, %xor3A_199 : vector<16xi32>
        %shift_left3A_201 = arith.constant 16 : i32
        %shift_left3A_202 = vector.broadcast %shift_left3A_201 : i32 to vector<16xi32>
        %shift_left3A_203 = arith.shli %xor3A_199, %shift_left3A_202 : vector<16xi32>
        %shift_right_logical3A_204 = arith.constant 16 : i32
        %shift_right_logical3A_205 = vector.broadcast %shift_right_logical3A_204 : i32 to vector<16xi32>
        %shift_right_logical3A_206 = arith.shrui %xor3A_199, %shift_right_logical3A_205 : vector<16xi32>
        %or3A_207 = arith.ori %shift_left3A_203, %shift_right_logical3A_206 : vector<16xi32>
        %xor3A_208 = arith.xori %or3A_207, %add3A_200 : vector<16xi32>
        %add3A_209 = arith.addi %add3A_200, %xor3A_208 : vector<16xi32>
        %shift_left3A_210 = arith.constant 24 : i32
        %shift_left3A_211 = vector.broadcast %shift_left3A_210 : i32 to vector<16xi32>
        %shift_left3A_212 = arith.shli %xor3A_208, %shift_left3A_211 : vector<16xi32>
        %shift_right_logical3A_213 = arith.constant 8 : i32
        %shift_right_logical3A_214 = vector.broadcast %shift_right_logical3A_213 : i32 to vector<16xi32>
        %shift_right_logical3A_215 = arith.shrui %xor3A_208, %shift_right_logical3A_214 : vector<16xi32>
        %or3A_216 = arith.ori %shift_left3A_212, %shift_right_logical3A_215 : vector<16xi32>
        %xor3A_217 = arith.xori %or3A_216, %add3A_209 : vector<16xi32>
        %add3A_218 = arith.constant 42 : i32
        %add3A_219 = vector.broadcast %add3A_218 : i32 to vector<16xi32>
        %add3A_220 = arith.addi %add3A_209, %add3A_219 : vector<16xi32>
        %add3A_221 = arith.constant 466689012 : i32
        %add3A_222 = vector.broadcast %add3A_221 : i32 to vector<16xi32>
        %add3A_223 = arith.addi %xor3A_217, %add3A_222 : vector<16xi32>
        %add3A_224 = arith.addi %add3A_220, %add3A_223 : vector<16xi32>
        %shift_left3A_225 = arith.constant 13 : i32
        %shift_left3A_226 = vector.broadcast %shift_left3A_225 : i32 to vector<16xi32>
        %shift_left3A_227 = arith.shli %add3A_223, %shift_left3A_226 : vector<16xi32>
        %shift_right_logical3A_228 = arith.constant 19 : i32
        %shift_right_logical3A_229 = vector.broadcast %shift_right_logical3A_228 : i32 to vector<16xi32>
        %shift_right_logical3A_230 = arith.shrui %add3A_223, %shift_right_logical3A_229 : vector<16xi32>
        %or3A_231 = arith.ori %shift_left3A_227, %shift_right_logical3A_230 : vector<16xi32>
        %xor3A_232 = arith.xori %or3A_231, %add3A_224 : vector<16xi32>
        %add3A_233 = arith.addi %add3A_224, %xor3A_232 : vector<16xi32>
        %shift_left3A_234 = arith.constant 15 : i32
        %shift_left3A_235 = vector.broadcast %shift_left3A_234 : i32 to vector<16xi32>
        %shift_left3A_236 = arith.shli %xor3A_232, %shift_left3A_235 : vector<16xi32>
        %shift_right_logical3A_237 = arith.constant 17 : i32
        %shift_right_logical3A_238 = vector.broadcast %shift_right_logical3A_237 : i32 to vector<16xi32>
        %shift_right_logical3A_239 = arith.shrui %xor3A_232, %shift_right_logical3A_238 : vector<16xi32>
        %or3A_240 = arith.ori %shift_left3A_236, %shift_right_logical3A_239 : vector<16xi32>
        %xor3A_241 = arith.xori %or3A_240, %add3A_233 : vector<16xi32>
        %add3A_242 = arith.addi %add3A_233, %xor3A_241 : vector<16xi32>
        %shift_left3A_243 = arith.constant 26 : i32
        %shift_left3A_244 = vector.broadcast %shift_left3A_243 : i32 to vector<16xi32>
        %shift_left3A_245 = arith.shli %xor3A_241, %shift_left3A_244 : vector<16xi32>
        %shift_right_logical3A_246 = arith.constant 6 : i32
        %shift_right_logical3A_247 = vector.broadcast %shift_right_logical3A_246 : i32 to vector<16xi32>
        %shift_right_logical3A_248 = arith.shrui %xor3A_241, %shift_right_logical3A_247 : vector<16xi32>
        %or3A_249 = arith.ori %shift_left3A_245, %shift_right_logical3A_248 : vector<16xi32>
        %xor3A_250 = arith.xori %or3A_249, %add3A_242 : vector<16xi32>
        %add3A_251 = arith.addi %add3A_242, %xor3A_250 : vector<16xi32>
        %shift_left3A_252 = arith.constant 6 : i32
        %shift_left3A_253 = vector.broadcast %shift_left3A_252 : i32 to vector<16xi32>
        %shift_left3A_254 = arith.shli %xor3A_250, %shift_left3A_253 : vector<16xi32>
        %shift_right_logical3A_255 = arith.constant 26 : i32
        %shift_right_logical3A_256 = vector.broadcast %shift_right_logical3A_255 : i32 to vector<16xi32>
        %shift_right_logical3A_257 = arith.shrui %xor3A_250, %shift_right_logical3A_256 : vector<16xi32>
        %or3A_258 = arith.ori %shift_left3A_254, %shift_right_logical3A_257 : vector<16xi32>
        %xor3A_259 = arith.xori %or3A_258, %add3A_251 : vector<16xi32>
        %add3A_260 = arith.constant 466689008 : i32
        %add3A_261 = vector.broadcast %add3A_260 : i32 to vector<16xi32>
        %add3A_262 = arith.addi %add3A_251, %add3A_261 : vector<16xi32>
        %add3A_263 = arith.constant 5 : i32
        %add3A_264 = vector.broadcast %add3A_263 : i32 to vector<16xi32>
        %add3A_265 = arith.addi %xor3A_259, %add3A_264 : vector<16xi32>
        %xor3A_266 = arith.xori %add3A_262, %add3A_265 : vector<16xi32>
        %lt3A_267 = arith.constant 429496832 : i32
        %lt3A_268 = vector.broadcast %lt3A_267 : i32 to vector<16xi32>
        %lt3A_269 = arith.cmpi ult, %xor3A_266, %lt3A_268 : vector<16xi32>
        %get3A = arith.index_cast %mul3A_55 : i32 to index
        %get3A_270 = tpu.vector_load %arg4[%get3A] {strides = array<i32>} : memref<16384xf32, #tpu.memory_space<vmem>>, vector<16xf32>,
        %get3A_271 = vector.shape_cast %get3A_270 : vector<16xf32> to vector<16xf32>
        %sub3A_272 = arith.constant 1.000000e+00 : f32
        %sub3A_273 = vector.broadcast %sub3A_272 : f32 to vector<16xf32>
        %sub3A_274 = arith.subf %sub3A_273, %get3A_271 : vector<16xf32>
        %select_n3A_275 = arith.select %lt3A_269, %sub3A_274, %get3A_271 : vector<16xi1>, vector<16xf32>
        %swap3A = arith.index_cast %mul3A_55 : i32 to index
        %swap3A_276 = tpu.vector_load %arg4[%swap3A] {strides = array<i32>} : memref<16384xf32, #tpu.memory_space<vmem>>, vector<16xf32>,
        %swap3A_277 = vector.shape_cast %swap3A_276 : vector<16xf32> to vector<16xf32>
        %swap3A_278 = vector.shape_cast %select_n3A_275 : vector<16xf32> to vector<16xf32>
        tpu.vector_store %arg4[%swap3A], %swap3A_278 {strides = array<i32>} : memref<16384xf32, #tpu.memory_space<vmem>>, vector<16xf32>,
        %scan3A_279 = arith.constant 1 : i32
        %scan3A_280 = arith.addi %scan3A_53, %scan3A_279 : i32
        %mul3A_281 = arith.constant 16 : i32
        %mul3A_282 = arith.muli %scan3A_280, %mul3A_281 : i32
        %add3A_283 = arith.addi %shift_left3A_35, %add3A_44 : i32
        %add3A_284 = arith.addi %add3A_283, %mul3A_282 : i32
        %add3A_285 = vector.broadcast %add3A_284 : i32 to vector<16xi32>
        %add3A_286 = arith.addi %add3A_285, %iota3A : vector<16xi32>
        %add3A_287 = arith.constant 42 : i32
        %add3A_288 = vector.broadcast %add3A_287 : i32 to vector<16xi32>
        %add3A_289 = arith.addi %add3A_286, %add3A_288 : vector<16xi32>
        %shift_left3A_290 = arith.constant 13 : i32
        %shift_left3A_291 = vector.broadcast %shift_left3A_290 : i32 to vector<16xi32>
        %shift_left3A_292 = arith.shli %add3A_289, %shift_left3A_291 : vector<16xi32>
        %shift_right_logical3A_293 = arith.constant 19 : i32
        %shift_right_logical3A_294 = vector.broadcast %shift_right_logical3A_293 : i32 to vector<16xi32>
        %shift_right_logical3A_295 = arith.shrui %add3A_289, %shift_right_logical3A_294 : vector<16xi32>
        %or3A_296 = arith.ori %shift_left3A_292, %shift_right_logical3A_295 : vector<16xi32>
        %xor3A_297 = arith.xori %or3A_296, %add3A_289 : vector<16xi32>
        %add3A_298 = arith.addi %add3A_289, %xor3A_297 : vector<16xi32>
        %shift_left3A_299 = arith.constant 15 : i32
        %shift_left3A_300 = vector.broadcast %shift_left3A_299 : i32 to vector<16xi32>
        %shift_left3A_301 = arith.shli %xor3A_297, %shift_left3A_300 : vector<16xi32>
        %shift_right_logical3A_302 = arith.constant 17 : i32
        %shift_right_logical3A_303 = vector.broadcast %shift_right_logical3A_302 : i32 to vector<16xi32>
        %shift_right_logical3A_304 = arith.shrui %xor3A_297, %shift_right_logical3A_303 : vector<16xi32>
        %or3A_305 = arith.ori %shift_left3A_301, %shift_right_logical3A_304 : vector<16xi32>
        %xor3A_306 = arith.xori %or3A_305, %add3A_298 : vector<16xi32>
        %add3A_307 = arith.addi %add3A_298, %xor3A_306 : vector<16xi32>
        %shift_left3A_308 = arith.constant 26 : i32
        %shift_left3A_309 = vector.broadcast %shift_left3A_308 : i32 to vector<16xi32>
        %shift_left3A_310 = arith.shli %xor3A_306, %shift_left3A_309 : vector<16xi32>
        %shift_right_logical3A_311 = arith.constant 6 : i32
        %shift_right_logical3A_312 = vector.broadcast %shift_right_logical3A_311 : i32 to vector<16xi32>
        %shift_right_logical3A_313 = arith.shrui %xor3A_306, %shift_right_logical3A_312 : vector<16xi32>
        %or3A_314 = arith.ori %shift_left3A_310, %shift_right_logical3A_313 : vector<16xi32>
        %xor3A_315 = arith.xori %or3A_314, %add3A_307 : vector<16xi32>
        %add3A_316 = arith.addi %add3A_307, %xor3A_315 : vector<16xi32>
        %shift_left3A_317 = arith.constant 6 : i32
        %shift_left3A_318 = vector.broadcast %shift_left3A_317 : i32 to vector<16xi32>
        %shift_left3A_319 = arith.shli %xor3A_315, %shift_left3A_318 : vector<16xi32>
        %shift_right_logical3A_320 = arith.constant 26 : i32
        %shift_right_logical3A_321 = vector.broadcast %shift_right_logical3A_320 : i32 to vector<16xi32>
        %shift_right_logical3A_322 = arith.shrui %xor3A_315, %shift_right_logical3A_321 : vector<16xi32>
        %or3A_323 = arith.ori %shift_left3A_319, %shift_right_logical3A_322 : vector<16xi32>
        %xor3A_324 = arith.xori %or3A_323, %add3A_316 : vector<16xi32>
        %add3A_325 = arith.constant 42 : i32
        %add3A_326 = vector.broadcast %add3A_325 : i32 to vector<16xi32>
        %add3A_327 = arith.addi %add3A_316, %add3A_326 : vector<16xi32>
        %add3A_328 = arith.constant 466689009 : i32
        %add3A_329 = vector.broadcast %add3A_328 : i32 to vector<16xi32>
        %add3A_330 = arith.addi %xor3A_324, %add3A_329 : vector<16xi32>
        %add3A_331 = arith.addi %add3A_327, %add3A_330 : vector<16xi32>
        %shift_left3A_332 = arith.constant 17 : i32
        %shift_left3A_333 = vector.broadcast %shift_left3A_332 : i32 to vector<16xi32>
        %shift_left3A_334 = arith.shli %add3A_330, %shift_left3A_333 : vector<16xi32>
        %shift_right_logical3A_335 = arith.constant 15 : i32
        %shift_right_logical3A_336 = vector.broadcast %shift_right_logical3A_335 : i32 to vector<16xi32>
        %shift_right_logical3A_337 = arith.shrui %add3A_330, %shift_right_logical3A_336 : vector<16xi32>
        %or3A_338 = arith.ori %shift_left3A_334, %shift_right_logical3A_337 : vector<16xi32>
        %xor3A_339 = arith.xori %or3A_338, %add3A_331 : vector<16xi32>
        %add3A_340 = arith.addi %add3A_331, %xor3A_339 : vector<16xi32>
        %shift_left3A_341 = arith.constant 29 : i32
        %shift_left3A_342 = vector.broadcast %shift_left3A_341 : i32 to vector<16xi32>
        %shift_left3A_343 = arith.shli %xor3A_339, %shift_left3A_342 : vector<16xi32>
        %shift_right_logical3A_344 = arith.constant 3 : i32
        %shift_right_logical3A_345 = vector.broadcast %shift_right_logical3A_344 : i32 to vector<16xi32>
        %shift_right_logical3A_346 = arith.shrui %xor3A_339, %shift_right_logical3A_345 : vector<16xi32>
        %or3A_347 = arith.ori %shift_left3A_343, %shift_right_logical3A_346 : vector<16xi32>
        %xor3A_348 = arith.xori %or3A_347, %add3A_340 : vector<16xi32>
        %add3A_349 = arith.addi %add3A_340, %xor3A_348 : vector<16xi32>
        %shift_left3A_350 = arith.constant 16 : i32
        %shift_left3A_351 = vector.broadcast %shift_left3A_350 : i32 to vector<16xi32>
        %shift_left3A_352 = arith.shli %xor3A_348, %shift_left3A_351 : vector<16xi32>
        %shift_right_logical3A_353 = arith.constant 16 : i32
        %shift_right_logical3A_354 = vector.broadcast %shift_right_logical3A_353 : i32 to vector<16xi32>
        %shift_right_logical3A_355 = arith.shrui %xor3A_348, %shift_right_logical3A_354 : vector<16xi32>
        %or3A_356 = arith.ori %shift_left3A_352, %shift_right_logical3A_355 : vector<16xi32>
        %xor3A_357 = arith.xori %or3A_356, %add3A_349 : vector<16xi32>
        %add3A_358 = arith.addi %add3A_349, %xor3A_357 : vector<16xi32>
        %shift_left3A_359 = arith.constant 24 : i32
        %shift_left3A_360 = vector.broadcast %shift_left3A_359 : i32 to vector<16xi32>
        %shift_left3A_361 = arith.shli %xor3A_357, %shift_left3A_360 : vector<16xi32>
        %shift_right_logical3A_362 = arith.constant 8 : i32
        %shift_right_logical3A_363 = vector.broadcast %shift_right_logical3A_362 : i32 to vector<16xi32>
        %shift_right_logical3A_364 = arith.shrui %xor3A_357, %shift_right_logical3A_363 : vector<16xi32>
        %or3A_365 = arith.ori %shift_left3A_361, %shift_right_logical3A_364 : vector<16xi32>
        %xor3A_366 = arith.xori %or3A_365, %add3A_358 : vector<16xi32>
        %add3A_367 = arith.constant 466689008 : i32
        %add3A_368 = vector.broadcast %add3A_367 : i32 to vector<16xi32>
        %add3A_369 = arith.addi %add3A_358, %add3A_368 : vector<16xi32>
        %add3A_370 = arith.constant 2 : i32
        %add3A_371 = vector.broadcast %add3A_370 : i32 to vector<16xi32>
        %add3A_372 = arith.addi %xor3A_366, %add3A_371 : vector<16xi32>
        %add3A_373 = arith.addi %add3A_369, %add3A_372 : vector<16xi32>
        %shift_left3A_374 = arith.constant 13 : i32
        %shift_left3A_375 = vector.broadcast %shift_left3A_374 : i32 to vector<16xi32>
        %shift_left3A_376 = arith.shli %add3A_372, %shift_left3A_375 : vector<16xi32>
        %shift_right_logical3A_377 = arith.constant 19 : i32
        %shift_right_logical3A_378 = vector.broadcast %shift_right_logical3A_377 : i32 to vector<16xi32>
        %shift_right_logical3A_379 = arith.shrui %add3A_372, %shift_right_logical3A_378 : vector<16xi32>
        %or3A_380 = arith.ori %shift_left3A_376, %shift_right_logical3A_379 : vector<16xi32>
        %xor3A_381 = arith.xori %or3A_380, %add3A_373 : vector<16xi32>
        %add3A_382 = arith.addi %add3A_373, %xor3A_381 : vector<16xi32>
        %shift_left3A_383 = arith.constant 15 : i32
        %shift_left3A_384 = vector.broadcast %shift_left3A_383 : i32 to vector<16xi32>
        %shift_left3A_385 = arith.shli %xor3A_381, %shift_left3A_384 : vector<16xi32>
        %shift_right_logical3A_386 = arith.constant 17 : i32
        %shift_right_logical3A_387 = vector.broadcast %shift_right_logical3A_386 : i32 to vector<16xi32>
        %shift_right_logical3A_388 = arith.shrui %xor3A_381, %shift_right_logical3A_387 : vector<16xi32>
        %or3A_389 = arith.ori %shift_left3A_385, %shift_right_logical3A_388 : vector<16xi32>
        %xor3A_390 = arith.xori %or3A_389, %add3A_382 : vector<16xi32>
        %add3A_391 = arith.addi %add3A_382, %xor3A_390 : vector<16xi32>
        %shift_left3A_392 = arith.constant 26 : i32
        %shift_left3A_393 = vector.broadcast %shift_left3A_392 : i32 to vector<16xi32>
        %shift_left3A_394 = arith.shli %xor3A_390, %shift_left3A_393 : vector<16xi32>
        %shift_right_logical3A_395 = arith.constant 6 : i32
        %shift_right_logical3A_396 = vector.broadcast %shift_right_logical3A_395 : i32 to vector<16xi32>
        %shift_right_logical3A_397 = arith.shrui %xor3A_390, %shift_right_logical3A_396 : vector<16xi32>
        %or3A_398 = arith.ori %shift_left3A_394, %shift_right_logical3A_397 : vector<16xi32>
        %xor3A_399 = arith.xori %or3A_398, %add3A_391 : vector<16xi32>
        %add3A_400 = arith.addi %add3A_391, %xor3A_399 : vector<16xi32>
        %shift_left3A_401 = arith.constant 6 : i32
        %shift_left3A_402 = vector.broadcast %shift_left3A_401 : i32 to vector<16xi32>
        %shift_left3A_403 = arith.shli %xor3A_399, %shift_left3A_402 : vector<16xi32>
        %shift_right_logical3A_404 = arith.constant 26 : i32
        %shift_right_logical3A_405 = vector.broadcast %shift_right_logical3A_404 : i32 to vector<16xi32>
        %shift_right_logical3A_406 = arith.shrui %xor3A_399, %shift_right_logical3A_405 : vector<16xi32>
        %or3A_407 = arith.ori %shift_left3A_403, %shift_right_logical3A_406 : vector<16xi32>
        %xor3A_408 = arith.xori %or3A_407, %add3A_400 : vector<16xi32>
        %add3A_409 = arith.constant 45 : i32
        %add3A_410 = vector.broadcast %add3A_409 : i32 to vector<16xi32>
        %add3A_411 = arith.addi %xor3A_408, %add3A_410 : vector<16xi32>
        %add3A_412 = arith.addi %add3A_400, %add3A_411 : vector<16xi32>
        %shift_left3A_413 = arith.constant 17 : i32
        %shift_left3A_414 = vector.broadcast %shift_left3A_413 : i32 to vector<16xi32>
        %shift_left3A_415 = arith.shli %add3A_411, %shift_left3A_414 : vector<16xi32>
        %shift_right_logical3A_416 = arith.constant 15 : i32
        %shift_right_logical3A_417 = vector.broadcast %shift_right_logical3A_416 : i32 to vector<16xi32>
        %shift_right_logical3A_418 = arith.shrui %add3A_411, %shift_right_logical3A_417 : vector<16xi32>
        %or3A_419 = arith.ori %shift_left3A_415, %shift_right_logical3A_418 : vector<16xi32>
        %xor3A_420 = arith.xori %or3A_419, %add3A_412 : vector<16xi32>
        %add3A_421 = arith.addi %add3A_412, %xor3A_420 : vector<16xi32>
        %shift_left3A_422 = arith.constant 29 : i32
        %shift_left3A_423 = vector.broadcast %shift_left3A_422 : i32 to vector<16xi32>
        %shift_left3A_424 = arith.shli %xor3A_420, %shift_left3A_423 : vector<16xi32>
        %shift_right_logical3A_425 = arith.constant 3 : i32
        %shift_right_logical3A_426 = vector.broadcast %shift_right_logical3A_425 : i32 to vector<16xi32>
        %shift_right_logical3A_427 = arith.shrui %xor3A_420, %shift_right_logical3A_426 : vector<16xi32>
        %or3A_428 = arith.ori %shift_left3A_424, %shift_right_logical3A_427 : vector<16xi32>
        %xor3A_429 = arith.xori %or3A_428, %add3A_421 : vector<16xi32>
        %add3A_430 = arith.addi %add3A_421, %xor3A_429 : vector<16xi32>
        %shift_left3A_431 = arith.constant 16 : i32
        %shift_left3A_432 = vector.broadcast %shift_left3A_431 : i32 to vector<16xi32>
        %shift_left3A_433 = arith.shli %xor3A_429, %shift_left3A_432 : vector<16xi32>
        %shift_right_logical3A_434 = arith.constant 16 : i32
        %shift_right_logical3A_435 = vector.broadcast %shift_right_logical3A_434 : i32 to vector<16xi32>
        %shift_right_logical3A_436 = arith.shrui %xor3A_429, %shift_right_logical3A_435 : vector<16xi32>
        %or3A_437 = arith.ori %shift_left3A_433, %shift_right_logical3A_436 : vector<16xi32>
        %xor3A_438 = arith.xori %or3A_437, %add3A_430 : vector<16xi32>
        %add3A_439 = arith.addi %add3A_430, %xor3A_438 : vector<16xi32>
        %shift_left3A_440 = arith.constant 24 : i32
        %shift_left3A_441 = vector.broadcast %shift_left3A_440 : i32 to vector<16xi32>
        %shift_left3A_442 = arith.shli %xor3A_438, %shift_left3A_441 : vector<16xi32>
        %shift_right_logical3A_443 = arith.constant 8 : i32
        %shift_right_logical3A_444 = vector.broadcast %shift_right_logical3A_443 : i32 to vector<16xi32>
        %shift_right_logical3A_445 = arith.shrui %xor3A_438, %shift_right_logical3A_444 : vector<16xi32>
        %or3A_446 = arith.ori %shift_left3A_442, %shift_right_logical3A_445 : vector<16xi32>
        %xor3A_447 = arith.xori %or3A_446, %add3A_439 : vector<16xi32>
        %add3A_448 = arith.constant 42 : i32
        %add3A_449 = vector.broadcast %add3A_448 : i32 to vector<16xi32>
        %add3A_450 = arith.addi %add3A_439, %add3A_449 : vector<16xi32>
        %add3A_451 = arith.constant 466689012 : i32
        %add3A_452 = vector.broadcast %add3A_451 : i32 to vector<16xi32>
        %add3A_453 = arith.addi %xor3A_447, %add3A_452 : vector<16xi32>
        %add3A_454 = arith.addi %add3A_450, %add3A_453 : vector<16xi32>
        %shift_left3A_455 = arith.constant 13 : i32
        %shift_left3A_456 = vector.broadcast %shift_left3A_455 : i32 to vector<16xi32>
        %shift_left3A_457 = arith.shli %add3A_453, %shift_left3A_456 : vector<16xi32>
        %shift_right_logical3A_458 = arith.constant 19 : i32
        %shift_right_logical3A_459 = vector.broadcast %shift_right_logical3A_458 : i32 to vector<16xi32>
        %shift_right_logical3A_460 = arith.shrui %add3A_453, %shift_right_logical3A_459 : vector<16xi32>
        %or3A_461 = arith.ori %shift_left3A_457, %shift_right_logical3A_460 : vector<16xi32>
        %xor3A_462 = arith.xori %or3A_461, %add3A_454 : vector<16xi32>
        %add3A_463 = arith.addi %add3A_454, %xor3A_462 : vector<16xi32>
        %shift_left3A_464 = arith.constant 15 : i32
        %shift_left3A_465 = vector.broadcast %shift_left3A_464 : i32 to vector<16xi32>
        %shift_left3A_466 = arith.shli %xor3A_462, %shift_left3A_465 : vector<16xi32>
        %shift_right_logical3A_467 = arith.constant 17 : i32
        %shift_right_logical3A_468 = vector.broadcast %shift_right_logical3A_467 : i32 to vector<16xi32>
        %shift_right_logical3A_469 = arith.shrui %xor3A_462, %shift_right_logical3A_468 : vector<16xi32>
        %or3A_470 = arith.ori %shift_left3A_466, %shift_right_logical3A_469 : vector<16xi32>
        %xor3A_471 = arith.xori %or3A_470, %add3A_463 : vector<16xi32>
        %add3A_472 = arith.addi %add3A_463, %xor3A_471 : vector<16xi32>
        %shift_left3A_473 = arith.constant 26 : i32
        %shift_left3A_474 = vector.broadcast %shift_left3A_473 : i32 to vector<16xi32>
        %shift_left3A_475 = arith.shli %xor3A_471, %shift_left3A_474 : vector<16xi32>
        %shift_right_logical3A_476 = arith.constant 6 : i32
        %shift_right_logical3A_477 = vector.broadcast %shift_right_logical3A_476 : i32 to vector<16xi32>
        %shift_right_logical3A_478 = arith.shrui %xor3A_471, %shift_right_logical3A_477 : vector<16xi32>
        %or3A_479 = arith.ori %shift_left3A_475, %shift_right_logical3A_478 : vector<16xi32>
        %xor3A_480 = arith.xori %or3A_479, %add3A_472 : vector<16xi32>
        %add3A_481 = arith.addi %add3A_472, %xor3A_480 : vector<16xi32>
        %shift_left3A_482 = arith.constant 6 : i32
        %shift_left3A_483 = vector.broadcast %shift_left3A_482 : i32 to vector<16xi32>
        %shift_left3A_484 = arith.shli %xor3A_480, %shift_left3A_483 : vector<16xi32>
        %shift_right_logical3A_485 = arith.constant 26 : i32
        %shift_right_logical3A_486 = vector.broadcast %shift_right_logical3A_485 : i32 to vector<16xi32>
        %shift_right_logical3A_487 = arith.shrui %xor3A_480, %shift_right_logical3A_486 : vector<16xi32>
        %or3A_488 = arith.ori %shift_left3A_484, %shift_right_logical3A_487 : vector<16xi32>
        %xor3A_489 = arith.xori %or3A_488, %add3A_481 : vector<16xi32>
        %add3A_490 = arith.constant 466689008 : i32
        %add3A_491 = vector.broadcast %add3A_490 : i32 to vector<16xi32>
        %add3A_492 = arith.addi %add3A_481, %add3A_491 : vector<16xi32>
        %add3A_493 = arith.constant 5 : i32
        %add3A_494 = vector.broadcast %add3A_493 : i32 to vector<16xi32>
        %add3A_495 = arith.addi %xor3A_489, %add3A_494 : vector<16xi32>
        %xor3A_496 = arith.xori %add3A_492, %add3A_495 : vector<16xi32>
        %lt3A_497 = arith.constant 429496832 : i32
        %lt3A_498 = vector.broadcast %lt3A_497 : i32 to vector<16xi32>
        %lt3A_499 = arith.cmpi ult, %xor3A_496, %lt3A_498 : vector<16xi32>
        %get3A_500 = arith.index_cast %mul3A_282 : i32 to index
        %get3A_501 = tpu.vector_load %arg4[%get3A_500] {strides = array<i32>} : memref<16384xf32, #tpu.memory_space<vmem>>, vector<16xf32>,
        %get3A_502 = vector.shape_cast %get3A_501 : vector<16xf32> to vector<16xf32>
        %sub3A_503 = arith.constant 1.000000e+00 : f32
        %sub3A_504 = vector.broadcast %sub3A_503 : f32 to vector<16xf32>
        %sub3A_505 = arith.subf %sub3A_504, %get3A_502 : vector<16xf32>
        %select_n3A_506 = arith.select %lt3A_499, %sub3A_505, %get3A_502 : vector<16xi1>, vector<16xf32>
        %swap3A_507 = arith.index_cast %mul3A_282 : i32 to index
        %swap3A_508 = tpu.vector_load %arg4[%swap3A_507] {strides = array<i32>} : memref<16384xf32, #tpu.memory_space<vmem>>, vector<16xf32>,
        %swap3A_509 = vector.shape_cast %swap3A_508 : vector<16xf32> to vector<16xf32>
        %swap3A_510 = vector.shape_cast %select_n3A_506 : vector<16xf32> to vector<16xf32>
        tpu.vector_store %arg4[%swap3A_507], %swap3A_510 {strides = array<i32>} : memref<16384xf32, #tpu.memory_space<vmem>>, vector<16xf32>,
      }
      %scan3A_52 = arith.constant 1024 : i32
      "tpu.region"() ({
        %run_scoped3A = tpu.sem_alloc : memref<!tpu.dma_semaphore, #tpu.memory_space<semaphore_mem>>
        %dma_start3A = tpu.memref_slice %arg3[%select_n3A, %add3A_44] : memref<8x262144xf32, #tpu.memory_space<hbm>> -> memref<1x16384xf32, #tpu.memory_space<hbm>>
        %dma_start3A_53 = tpu.memref_squeeze %dma_start3A : memref<1x16384xf32, #tpu.memory_space<hbm>> -> memref<16384xf32, #tpu.memory_space<hbm>>
        %dma_start3A_54 = tpu.memref_slice %arg3[%select_n3A, %add3A_44] : memref<8x262144xf32, #tpu.memory_space<hbm>> -> memref<1x16384xf32, #tpu.memory_space<hbm>>
        %dma_start3A_55 = tpu.memref_squeeze %dma_start3A_54 : memref<1x16384xf32, #tpu.memory_space<hbm>> -> memref<16384xf32, #tpu.memory_space<hbm>>
        tpu.enqueue_dma source(%arg4 : memref<16384xf32, #tpu.memory_space<vmem>>) target(%dma_start3A_55 : memref<16384xf32, #tpu.memory_space<hbm>>) target_semaphore(%run_scoped3A : memref<!tpu.dma_semaphore, #tpu.memory_space<semaphore_mem>>)
        %dma_wait3A = tpu.memref_slice %arg3[%select_n3A, %add3A_44] : memref<8x262144xf32, #tpu.memory_space<hbm>> -> memref<1x16384xf32, #tpu.memory_space<hbm>>
        %dma_wait3A_56 = tpu.memref_squeeze %dma_wait3A : memref<1x16384xf32, #tpu.memory_space<hbm>> -> memref<16384xf32, #tpu.memory_space<hbm>>
        %dma_wait3A_57 = tpu.memref_slice %arg3[%select_n3A, %add3A_44] : memref<8x262144xf32, #tpu.memory_space<hbm>> -> memref<1x16384xf32, #tpu.memory_space<hbm>>
        %dma_wait3A_58 = tpu.memref_squeeze %dma_wait3A_57 : memref<1x16384xf32, #tpu.memory_space<hbm>> -> memref<16384xf32, #tpu.memory_space<hbm>>
        tpu.wait_dma2 semaphore(%run_scoped3A : memref<!tpu.dma_semaphore, #tpu.memory_space<semaphore_mem>>) src(%arg4 : memref<16384xf32, #tpu.memory_space<vmem>>) dst(%dma_wait3A_58 : memref<16384xf32, #tpu.memory_space<hbm>>)
        tpu.yield
      }) : () -> ()
    }
    %scan3A_40 = arith.constant 4 : i32
    return
  }
}

module attributes {stable_mosaic.version = 14 : i64} {
  func.func @body(%arg0: i32, %arg1: i32, %arg2: memref<8x32768xf32, #tpu.memory_space<vmem>>, %arg3: memref<8x32768xf32, #tpu.memory_space<vmem>>) attributes {dimension_semantics = [#tpu.dimension_semantics<parallel>, #tpu.dimension_semantics<parallel>], iteration_bounds = array<i64: 3, 8>, scalar_prefetch = 0 : i64, scratch_operands = 0 : i64, tpu.core_type = #tpu.core_type<tc>, window_params = [{transform_indices = @transform_0, window_bounds = array<i64: 8, 32768>}, {transform_indices = @transform_1, window_bounds = array<i64: 8, 32768>}]} {
    %iota3A = tpu.iota {dimensions = array<i32: 0>} : vector<8x32768xi32>
    %iota3A_0 = tpu.iota {dimensions = array<i32: 1>} : vector<8x32768xi32>
    %mul3A = arith.constant 8 : i32
    %mul3A_1 = arith.muli %arg0, %mul3A : i32
    %add3A = vector.broadcast %mul3A_1 : i32 to vector<8x32768xi32>
    %add3A_2 = arith.addi %add3A, %iota3A : vector<8x32768xi32>
    %shift_left3A = arith.constant 18 : i32
    %shift_left3A_3 = vector.broadcast %shift_left3A : i32 to vector<8x32768xi32>
    %shift_left3A_4 = arith.shli %add3A_2, %shift_left3A_3 : vector<8x32768xi32>
    %mul3A_5 = arith.constant 32768 : i32
    %mul3A_6 = arith.muli %arg1, %mul3A_5 : i32
    %add3A_7 = vector.broadcast %mul3A_6 : i32 to vector<8x32768xi32>
    %add3A_8 = arith.addi %shift_left3A_4, %add3A_7 : vector<8x32768xi32>
    %add3A_9 = arith.addi %add3A_8, %iota3A_0 : vector<8x32768xi32>
    %add3A_10 = arith.constant 42 : i32
    %add3A_11 = vector.broadcast %add3A_10 : i32 to vector<8x32768xi32>
    %add3A_12 = arith.addi %add3A_9, %add3A_11 : vector<8x32768xi32>
    %shift_left3A_13 = arith.constant 13 : i32
    %shift_left3A_14 = vector.broadcast %shift_left3A_13 : i32 to vector<8x32768xi32>
    %shift_left3A_15 = arith.shli %add3A_12, %shift_left3A_14 : vector<8x32768xi32>
    %shift_right_logical3A = arith.constant 19 : i32
    %shift_right_logical3A_16 = vector.broadcast %shift_right_logical3A : i32 to vector<8x32768xi32>
    %shift_right_logical3A_17 = arith.shrui %add3A_12, %shift_right_logical3A_16 : vector<8x32768xi32>
    %or3A = arith.ori %shift_left3A_15, %shift_right_logical3A_17 : vector<8x32768xi32>
    %xor3A = arith.xori %or3A, %add3A_12 : vector<8x32768xi32>
    %add3A_18 = arith.addi %add3A_12, %xor3A : vector<8x32768xi32>
    %shift_left3A_19 = arith.constant 15 : i32
    %shift_left3A_20 = vector.broadcast %shift_left3A_19 : i32 to vector<8x32768xi32>
    %shift_left3A_21 = arith.shli %xor3A, %shift_left3A_20 : vector<8x32768xi32>
    %shift_right_logical3A_22 = arith.constant 17 : i32
    %shift_right_logical3A_23 = vector.broadcast %shift_right_logical3A_22 : i32 to vector<8x32768xi32>
    %shift_right_logical3A_24 = arith.shrui %xor3A, %shift_right_logical3A_23 : vector<8x32768xi32>
    %or3A_25 = arith.ori %shift_left3A_21, %shift_right_logical3A_24 : vector<8x32768xi32>
    %xor3A_26 = arith.xori %or3A_25, %add3A_18 : vector<8x32768xi32>
    %add3A_27 = arith.addi %add3A_18, %xor3A_26 : vector<8x32768xi32>
    %shift_left3A_28 = arith.constant 26 : i32
    %shift_left3A_29 = vector.broadcast %shift_left3A_28 : i32 to vector<8x32768xi32>
    %shift_left3A_30 = arith.shli %xor3A_26, %shift_left3A_29 : vector<8x32768xi32>
    %shift_right_logical3A_31 = arith.constant 6 : i32
    %shift_right_logical3A_32 = vector.broadcast %shift_right_logical3A_31 : i32 to vector<8x32768xi32>
    %shift_right_logical3A_33 = arith.shrui %xor3A_26, %shift_right_logical3A_32 : vector<8x32768xi32>
    %or3A_34 = arith.ori %shift_left3A_30, %shift_right_logical3A_33 : vector<8x32768xi32>
    %xor3A_35 = arith.xori %or3A_34, %add3A_27 : vector<8x32768xi32>
    %add3A_36 = arith.addi %add3A_27, %xor3A_35 : vector<8x32768xi32>
    %shift_left3A_37 = arith.constant 6 : i32
    %shift_left3A_38 = vector.broadcast %shift_left3A_37 : i32 to vector<8x32768xi32>
    %shift_left3A_39 = arith.shli %xor3A_35, %shift_left3A_38 : vector<8x32768xi32>
    %shift_right_logical3A_40 = arith.constant 26 : i32
    %shift_right_logical3A_41 = vector.broadcast %shift_right_logical3A_40 : i32 to vector<8x32768xi32>
    %shift_right_logical3A_42 = arith.shrui %xor3A_35, %shift_right_logical3A_41 : vector<8x32768xi32>
    %or3A_43 = arith.ori %shift_left3A_39, %shift_right_logical3A_42 : vector<8x32768xi32>
    %xor3A_44 = arith.xori %or3A_43, %add3A_36 : vector<8x32768xi32>
    %add3A_45 = arith.constant 42 : i32
    %add3A_46 = vector.broadcast %add3A_45 : i32 to vector<8x32768xi32>
    %add3A_47 = arith.addi %add3A_36, %add3A_46 : vector<8x32768xi32>
    %add3A_48 = arith.constant 466689009 : i32
    %add3A_49 = vector.broadcast %add3A_48 : i32 to vector<8x32768xi32>
    %add3A_50 = arith.addi %xor3A_44, %add3A_49 : vector<8x32768xi32>
    %add3A_51 = arith.addi %add3A_47, %add3A_50 : vector<8x32768xi32>
    %shift_left3A_52 = arith.constant 17 : i32
    %shift_left3A_53 = vector.broadcast %shift_left3A_52 : i32 to vector<8x32768xi32>
    %shift_left3A_54 = arith.shli %add3A_50, %shift_left3A_53 : vector<8x32768xi32>
    %shift_right_logical3A_55 = arith.constant 15 : i32
    %shift_right_logical3A_56 = vector.broadcast %shift_right_logical3A_55 : i32 to vector<8x32768xi32>
    %shift_right_logical3A_57 = arith.shrui %add3A_50, %shift_right_logical3A_56 : vector<8x32768xi32>
    %or3A_58 = arith.ori %shift_left3A_54, %shift_right_logical3A_57 : vector<8x32768xi32>
    %xor3A_59 = arith.xori %or3A_58, %add3A_51 : vector<8x32768xi32>
    %add3A_60 = arith.addi %add3A_51, %xor3A_59 : vector<8x32768xi32>
    %shift_left3A_61 = arith.constant 29 : i32
    %shift_left3A_62 = vector.broadcast %shift_left3A_61 : i32 to vector<8x32768xi32>
    %shift_left3A_63 = arith.shli %xor3A_59, %shift_left3A_62 : vector<8x32768xi32>
    %shift_right_logical3A_64 = arith.constant 3 : i32
    %shift_right_logical3A_65 = vector.broadcast %shift_right_logical3A_64 : i32 to vector<8x32768xi32>
    %shift_right_logical3A_66 = arith.shrui %xor3A_59, %shift_right_logical3A_65 : vector<8x32768xi32>
    %or3A_67 = arith.ori %shift_left3A_63, %shift_right_logical3A_66 : vector<8x32768xi32>
    %xor3A_68 = arith.xori %or3A_67, %add3A_60 : vector<8x32768xi32>
    %add3A_69 = arith.addi %add3A_60, %xor3A_68 : vector<8x32768xi32>
    %shift_left3A_70 = arith.constant 16 : i32
    %shift_left3A_71 = vector.broadcast %shift_left3A_70 : i32 to vector<8x32768xi32>
    %shift_left3A_72 = arith.shli %xor3A_68, %shift_left3A_71 : vector<8x32768xi32>
    %shift_right_logical3A_73 = arith.constant 16 : i32
    %shift_right_logical3A_74 = vector.broadcast %shift_right_logical3A_73 : i32 to vector<8x32768xi32>
    %shift_right_logical3A_75 = arith.shrui %xor3A_68, %shift_right_logical3A_74 : vector<8x32768xi32>
    %or3A_76 = arith.ori %shift_left3A_72, %shift_right_logical3A_75 : vector<8x32768xi32>
    %xor3A_77 = arith.xori %or3A_76, %add3A_69 : vector<8x32768xi32>
    %add3A_78 = arith.addi %add3A_69, %xor3A_77 : vector<8x32768xi32>
    %shift_left3A_79 = arith.constant 24 : i32
    %shift_left3A_80 = vector.broadcast %shift_left3A_79 : i32 to vector<8x32768xi32>
    %shift_left3A_81 = arith.shli %xor3A_77, %shift_left3A_80 : vector<8x32768xi32>
    %shift_right_logical3A_82 = arith.constant 8 : i32
    %shift_right_logical3A_83 = vector.broadcast %shift_right_logical3A_82 : i32 to vector<8x32768xi32>
    %shift_right_logical3A_84 = arith.shrui %xor3A_77, %shift_right_logical3A_83 : vector<8x32768xi32>
    %or3A_85 = arith.ori %shift_left3A_81, %shift_right_logical3A_84 : vector<8x32768xi32>
    %xor3A_86 = arith.xori %or3A_85, %add3A_78 : vector<8x32768xi32>
    %add3A_87 = arith.constant 466689008 : i32
    %add3A_88 = vector.broadcast %add3A_87 : i32 to vector<8x32768xi32>
    %add3A_89 = arith.addi %add3A_78, %add3A_88 : vector<8x32768xi32>
    %add3A_90 = arith.constant 2 : i32
    %add3A_91 = vector.broadcast %add3A_90 : i32 to vector<8x32768xi32>
    %add3A_92 = arith.addi %xor3A_86, %add3A_91 : vector<8x32768xi32>
    %add3A_93 = arith.addi %add3A_89, %add3A_92 : vector<8x32768xi32>
    %shift_left3A_94 = arith.constant 13 : i32
    %shift_left3A_95 = vector.broadcast %shift_left3A_94 : i32 to vector<8x32768xi32>
    %shift_left3A_96 = arith.shli %add3A_92, %shift_left3A_95 : vector<8x32768xi32>
    %shift_right_logical3A_97 = arith.constant 19 : i32
    %shift_right_logical3A_98 = vector.broadcast %shift_right_logical3A_97 : i32 to vector<8x32768xi32>
    %shift_right_logical3A_99 = arith.shrui %add3A_92, %shift_right_logical3A_98 : vector<8x32768xi32>
    %or3A_100 = arith.ori %shift_left3A_96, %shift_right_logical3A_99 : vector<8x32768xi32>
    %xor3A_101 = arith.xori %or3A_100, %add3A_93 : vector<8x32768xi32>
    %add3A_102 = arith.addi %add3A_93, %xor3A_101 : vector<8x32768xi32>
    %shift_left3A_103 = arith.constant 15 : i32
    %shift_left3A_104 = vector.broadcast %shift_left3A_103 : i32 to vector<8x32768xi32>
    %shift_left3A_105 = arith.shli %xor3A_101, %shift_left3A_104 : vector<8x32768xi32>
    %shift_right_logical3A_106 = arith.constant 17 : i32
    %shift_right_logical3A_107 = vector.broadcast %shift_right_logical3A_106 : i32 to vector<8x32768xi32>
    %shift_right_logical3A_108 = arith.shrui %xor3A_101, %shift_right_logical3A_107 : vector<8x32768xi32>
    %or3A_109 = arith.ori %shift_left3A_105, %shift_right_logical3A_108 : vector<8x32768xi32>
    %xor3A_110 = arith.xori %or3A_109, %add3A_102 : vector<8x32768xi32>
    %add3A_111 = arith.addi %add3A_102, %xor3A_110 : vector<8x32768xi32>
    %shift_left3A_112 = arith.constant 26 : i32
    %shift_left3A_113 = vector.broadcast %shift_left3A_112 : i32 to vector<8x32768xi32>
    %shift_left3A_114 = arith.shli %xor3A_110, %shift_left3A_113 : vector<8x32768xi32>
    %shift_right_logical3A_115 = arith.constant 6 : i32
    %shift_right_logical3A_116 = vector.broadcast %shift_right_logical3A_115 : i32 to vector<8x32768xi32>
    %shift_right_logical3A_117 = arith.shrui %xor3A_110, %shift_right_logical3A_116 : vector<8x32768xi32>
    %or3A_118 = arith.ori %shift_left3A_114, %shift_right_logical3A_117 : vector<8x32768xi32>
    %xor3A_119 = arith.xori %or3A_118, %add3A_111 : vector<8x32768xi32>
    %add3A_120 = arith.addi %add3A_111, %xor3A_119 : vector<8x32768xi32>
    %shift_left3A_121 = arith.constant 6 : i32
    %shift_left3A_122 = vector.broadcast %shift_left3A_121 : i32 to vector<8x32768xi32>
    %shift_left3A_123 = arith.shli %xor3A_119, %shift_left3A_122 : vector<8x32768xi32>
    %shift_right_logical3A_124 = arith.constant 26 : i32
    %shift_right_logical3A_125 = vector.broadcast %shift_right_logical3A_124 : i32 to vector<8x32768xi32>
    %shift_right_logical3A_126 = arith.shrui %xor3A_119, %shift_right_logical3A_125 : vector<8x32768xi32>
    %or3A_127 = arith.ori %shift_left3A_123, %shift_right_logical3A_126 : vector<8x32768xi32>
    %xor3A_128 = arith.xori %or3A_127, %add3A_120 : vector<8x32768xi32>
    %add3A_129 = arith.constant 45 : i32
    %add3A_130 = vector.broadcast %add3A_129 : i32 to vector<8x32768xi32>
    %add3A_131 = arith.addi %xor3A_128, %add3A_130 : vector<8x32768xi32>
    %add3A_132 = arith.addi %add3A_120, %add3A_131 : vector<8x32768xi32>
    %shift_left3A_133 = arith.constant 17 : i32
    %shift_left3A_134 = vector.broadcast %shift_left3A_133 : i32 to vector<8x32768xi32>
    %shift_left3A_135 = arith.shli %add3A_131, %shift_left3A_134 : vector<8x32768xi32>
    %shift_right_logical3A_136 = arith.constant 15 : i32
    %shift_right_logical3A_137 = vector.broadcast %shift_right_logical3A_136 : i32 to vector<8x32768xi32>
    %shift_right_logical3A_138 = arith.shrui %add3A_131, %shift_right_logical3A_137 : vector<8x32768xi32>
    %or3A_139 = arith.ori %shift_left3A_135, %shift_right_logical3A_138 : vector<8x32768xi32>
    %xor3A_140 = arith.xori %or3A_139, %add3A_132 : vector<8x32768xi32>
    %add3A_141 = arith.addi %add3A_132, %xor3A_140 : vector<8x32768xi32>
    %shift_left3A_142 = arith.constant 29 : i32
    %shift_left3A_143 = vector.broadcast %shift_left3A_142 : i32 to vector<8x32768xi32>
    %shift_left3A_144 = arith.shli %xor3A_140, %shift_left3A_143 : vector<8x32768xi32>
    %shift_right_logical3A_145 = arith.constant 3 : i32
    %shift_right_logical3A_146 = vector.broadcast %shift_right_logical3A_145 : i32 to vector<8x32768xi32>
    %shift_right_logical3A_147 = arith.shrui %xor3A_140, %shift_right_logical3A_146 : vector<8x32768xi32>
    %or3A_148 = arith.ori %shift_left3A_144, %shift_right_logical3A_147 : vector<8x32768xi32>
    %xor3A_149 = arith.xori %or3A_148, %add3A_141 : vector<8x32768xi32>
    %add3A_150 = arith.addi %add3A_141, %xor3A_149 : vector<8x32768xi32>
    %shift_left3A_151 = arith.constant 16 : i32
    %shift_left3A_152 = vector.broadcast %shift_left3A_151 : i32 to vector<8x32768xi32>
    %shift_left3A_153 = arith.shli %xor3A_149, %shift_left3A_152 : vector<8x32768xi32>
    %shift_right_logical3A_154 = arith.constant 16 : i32
    %shift_right_logical3A_155 = vector.broadcast %shift_right_logical3A_154 : i32 to vector<8x32768xi32>
    %shift_right_logical3A_156 = arith.shrui %xor3A_149, %shift_right_logical3A_155 : vector<8x32768xi32>
    %or3A_157 = arith.ori %shift_left3A_153, %shift_right_logical3A_156 : vector<8x32768xi32>
    %xor3A_158 = arith.xori %or3A_157, %add3A_150 : vector<8x32768xi32>
    %add3A_159 = arith.addi %add3A_150, %xor3A_158 : vector<8x32768xi32>
    %shift_left3A_160 = arith.constant 24 : i32
    %shift_left3A_161 = vector.broadcast %shift_left3A_160 : i32 to vector<8x32768xi32>
    %shift_left3A_162 = arith.shli %xor3A_158, %shift_left3A_161 : vector<8x32768xi32>
    %shift_right_logical3A_163 = arith.constant 8 : i32
    %shift_right_logical3A_164 = vector.broadcast %shift_right_logical3A_163 : i32 to vector<8x32768xi32>
    %shift_right_logical3A_165 = arith.shrui %xor3A_158, %shift_right_logical3A_164 : vector<8x32768xi32>
    %or3A_166 = arith.ori %shift_left3A_162, %shift_right_logical3A_165 : vector<8x32768xi32>
    %xor3A_167 = arith.xori %or3A_166, %add3A_159 : vector<8x32768xi32>
    %add3A_168 = arith.constant 42 : i32
    %add3A_169 = vector.broadcast %add3A_168 : i32 to vector<8x32768xi32>
    %add3A_170 = arith.addi %add3A_159, %add3A_169 : vector<8x32768xi32>
    %add3A_171 = arith.constant 466689012 : i32
    %add3A_172 = vector.broadcast %add3A_171 : i32 to vector<8x32768xi32>
    %add3A_173 = arith.addi %xor3A_167, %add3A_172 : vector<8x32768xi32>
    %add3A_174 = arith.addi %add3A_170, %add3A_173 : vector<8x32768xi32>
    %shift_left3A_175 = arith.constant 13 : i32
    %shift_left3A_176 = vector.broadcast %shift_left3A_175 : i32 to vector<8x32768xi32>
    %shift_left3A_177 = arith.shli %add3A_173, %shift_left3A_176 : vector<8x32768xi32>
    %shift_right_logical3A_178 = arith.constant 19 : i32
    %shift_right_logical3A_179 = vector.broadcast %shift_right_logical3A_178 : i32 to vector<8x32768xi32>
    %shift_right_logical3A_180 = arith.shrui %add3A_173, %shift_right_logical3A_179 : vector<8x32768xi32>
    %or3A_181 = arith.ori %shift_left3A_177, %shift_right_logical3A_180 : vector<8x32768xi32>
    %xor3A_182 = arith.xori %or3A_181, %add3A_174 : vector<8x32768xi32>
    %add3A_183 = arith.addi %add3A_174, %xor3A_182 : vector<8x32768xi32>
    %shift_left3A_184 = arith.constant 15 : i32
    %shift_left3A_185 = vector.broadcast %shift_left3A_184 : i32 to vector<8x32768xi32>
    %shift_left3A_186 = arith.shli %xor3A_182, %shift_left3A_185 : vector<8x32768xi32>
    %shift_right_logical3A_187 = arith.constant 17 : i32
    %shift_right_logical3A_188 = vector.broadcast %shift_right_logical3A_187 : i32 to vector<8x32768xi32>
    %shift_right_logical3A_189 = arith.shrui %xor3A_182, %shift_right_logical3A_188 : vector<8x32768xi32>
    %or3A_190 = arith.ori %shift_left3A_186, %shift_right_logical3A_189 : vector<8x32768xi32>
    %xor3A_191 = arith.xori %or3A_190, %add3A_183 : vector<8x32768xi32>
    %add3A_192 = arith.addi %add3A_183, %xor3A_191 : vector<8x32768xi32>
    %shift_left3A_193 = arith.constant 26 : i32
    %shift_left3A_194 = vector.broadcast %shift_left3A_193 : i32 to vector<8x32768xi32>
    %shift_left3A_195 = arith.shli %xor3A_191, %shift_left3A_194 : vector<8x32768xi32>
    %shift_right_logical3A_196 = arith.constant 6 : i32
    %shift_right_logical3A_197 = vector.broadcast %shift_right_logical3A_196 : i32 to vector<8x32768xi32>
    %shift_right_logical3A_198 = arith.shrui %xor3A_191, %shift_right_logical3A_197 : vector<8x32768xi32>
    %or3A_199 = arith.ori %shift_left3A_195, %shift_right_logical3A_198 : vector<8x32768xi32>
    %xor3A_200 = arith.xori %or3A_199, %add3A_192 : vector<8x32768xi32>
    %add3A_201 = arith.addi %add3A_192, %xor3A_200 : vector<8x32768xi32>
    %shift_left3A_202 = arith.constant 6 : i32
    %shift_left3A_203 = vector.broadcast %shift_left3A_202 : i32 to vector<8x32768xi32>
    %shift_left3A_204 = arith.shli %xor3A_200, %shift_left3A_203 : vector<8x32768xi32>
    %shift_right_logical3A_205 = arith.constant 26 : i32
    %shift_right_logical3A_206 = vector.broadcast %shift_right_logical3A_205 : i32 to vector<8x32768xi32>
    %shift_right_logical3A_207 = arith.shrui %xor3A_200, %shift_right_logical3A_206 : vector<8x32768xi32>
    %or3A_208 = arith.ori %shift_left3A_204, %shift_right_logical3A_207 : vector<8x32768xi32>
    %xor3A_209 = arith.xori %or3A_208, %add3A_201 : vector<8x32768xi32>
    %add3A_210 = arith.constant 466689008 : i32
    %add3A_211 = vector.broadcast %add3A_210 : i32 to vector<8x32768xi32>
    %add3A_212 = arith.addi %add3A_201, %add3A_211 : vector<8x32768xi32>
    %add3A_213 = arith.constant 5 : i32
    %add3A_214 = vector.broadcast %add3A_213 : i32 to vector<8x32768xi32>
    %add3A_215 = arith.addi %xor3A_209, %add3A_214 : vector<8x32768xi32>
    %xor3A_216 = arith.xori %add3A_212, %add3A_215 : vector<8x32768xi32>
    %lt3A = arith.constant 429496832 : i32
    %lt3A_217 = vector.broadcast %lt3A : i32 to vector<8x32768xi32>
    %lt3A_218 = arith.cmpi ult, %xor3A_216, %lt3A_217 : vector<8x32768xi32>
    %get3A = arith.constant 0 : index
    %get3A_219 = arith.constant 0 : index
    %get3A_220 = vector.load %arg2[%get3A, %get3A_219] : memref<8x32768xf32, #tpu.memory_space<vmem>>, vector<8x32768xf32>
    %sub3A = arith.constant 1.000000e+00 : f32
    %sub3A_221 = vector.broadcast %sub3A : f32 to vector<8x32768xf32>
    %sub3A_222 = arith.subf %sub3A_221, %get3A_220 : vector<8x32768xf32>
    %select_n3A = arith.select %lt3A_218, %sub3A_222, %get3A_220 : vector<8x32768xi1>, vector<8x32768xf32>
    %swap3A = arith.constant 0 : index
    %swap3A_223 = arith.constant 0 : index
    %swap3A_224 = vector.load %arg3[%swap3A, %swap3A_223] : memref<8x32768xf32, #tpu.memory_space<vmem>>, vector<8x32768xf32>
    tpu.vector_store %arg3[%swap3A, %swap3A_223], %select_n3A {strides = array<i32>} : memref<8x32768xf32, #tpu.memory_space<vmem>>, vector<8x32768xf32>,
    return
  }
  func.func @transform_0(%arg0: i32, %arg1: i32) -> (i32, i32) {
    %c0_i32 = arith.constant 0 : i32
    return %arg0, %arg1 : i32, i32
  }
  func.func @transform_1(%arg0: i32, %arg1: i32) -> (i32, i32) {
    %c0_i32 = arith.constant 0 : i32
    return %arg0, %arg1 : i32, i32
  }
}

</mosaic_0001>

<sc_bundles>
// kernel: kernel.4.cloned.1.call-start
scs
__scs_entry_jumppad:
0x0: {  	(pc) =	sbr.rel $0x88, $3  }
0x1: {  	(tag) =	ssettag $0x0;
	lr =	simm.s32 $0x1  }
0x2: {  	[smem:$0x3F9B] =	sst lr;
	_ =	strace $0xD0000000  }
0x3: {  	_ = 	snop  }
0x4: {  	_ = 	snop  }
0x5: {  	_ = 	snop  }
0x6: {  	_ = 	snop  }
0x7: {  	_ = 	snop  }
__scs_overlays_trampoline_lowered:
0x8: {  	[smem:$0x3FAA] =	sst s0  }
0x9: {  	[smem:$0x3FAB] =	sst s1  }
0xa: {  	[smem:$0x3FAC] =	sst s2  }
0xb: {  	[smem:$0x3FAD] =	sst s3  }
0xc: {  	[smem:$0x3FAE] =	sst s4  }
0xd: {  	[smem:$0x3FAF] =	sst s5  }
0xe: {  	[smem:$0x3FB0] =	sst s6  }
0xf: {  	[smem:$0x3FB1] =	sst s7  }
0x10: {  	[smem:$0x3FB2] =	sst s8  }
0x11: {  	[smem:$0x3FB3] =	sst s9;
	s0 =	simm.s32 @!p0 $0x0  }
0x12: {  	s1 =	sld [smem:$0x3F99];
	s0 =	simm.s32 @p0 $0x1  }
0x13: {  	[smem:$0x3FB4] =	sst s0;
	s0 =	simm.s32 @!p1 $0x0  }
0x14: {  	s2 =	sld [smem:$0x3F98];
	s0 =	simm.s32 @p1 $0x1  }
0x15: {  	[smem:$0x3FB5] =	sst s0;
	s0 =	simm.s32 @!p2 $0x0  }
0x16: {  	s3 =	sld [smem:$0x3FDB];
	s0 =	simm.s32 @p2 $0x1  }
0x17: {  	s4 =	simm.s32 $0x1BF5;
	[smem:$0x3FB7] =	sst s0  }
0x18: {  	s0 =	sld [smem:$0x3F9A];
	_ =	swait.ge [sflag:s4], $0x0  }
0x19: {  	s7 =	sld [smem:$0x3F9B]  }
0x1a: {  	s8 =	sadd.s32 $0xFFFFE003, lr  }
0x1b: {  	s9 =	sadd.s32 $0xFFFFFEF7, lr;
	s5 =	simm.s32 $0xFFFFFFFF;
	p2 =	slt.u32 s8, $0xFFFFF086  }
0x1c: {  	p1 =	slt.u32 s9, $0xF7A;
	s5 =	simm.s32 @!p2 $0x0  }
0x1d: {  	s5 =	simm.s32 @p1 $0x1;
	p0 =	seq.s32 s7, s2  }
0x1e: {  	s7 =	smul.u32 @!p0 $0xF7A, s2;
	p2 =	seq.s32 @!p0 s5, $0x0  }
0x1f: {  	s9 =	smul.u32 $0xF7A, s1;
	s8 =	simm.s32 @!p0 $0x1BF5;
	p2 =	por !p2, p0  }
0x20: {  	[sflag:s8] =	ssyncset.s32 @!p0 $0xFFFFF086;
	s6 =	sadd.s32 @!p0 s3, s7;
	s7 =	simm.s32 @!p0 $0x108  }
0x21: {  	s3 =	sadd.s32 s3, s9;
	s6 =	sadd.s32 @!p0 $0x88, s6;
	s7 =	simm.s32 @p2 $0x1082  }
0x22: {  	[simem:s7], [sflag:s8] =	dma.local @!p0 [hbm:s6], $0xF7A  }
0x23: {  	s9 =	sor.u32 $0xD0000000, s2;
	s6 =	simm.s32 $0x108;
	_ =	swait.ge @!p0 [sflag:s8], $0x0  }
0x24: {  	s3 =	sadd.s32 $0x88, s3;
	s6 =	simm.s32 @!p1 $0x1082;
	[sflag:s4] =	ssyncset.s32 $0xFFFFF086  }
0x25: {  	[simem:s6], [sflag:s4] =	dma.local [hbm:s3], $0xF7A  }
0x26: {  	[smem:$0x3F9B] =	sst s1;
	(tag) =	ssettag s2;
	_ =	strace s9  }
0x27: {  	s1 =	sld [smem:$0x3FAB]  }
0x28: {  	s2 =	sld [smem:$0x3FAC]  }
0x29: {  	s4 =	sld [smem:$0x3FAE]  }
0x2a: {  	p0 =	seq.s32 s5, $0x0;
	s5 =	sld [smem:$0x3FAF]  }
0x2b: {  	s6 =	sld [smem:$0x3FB0]  }
0x2c: {  	s7 =	sld [smem:$0x3FB1]  }
0x2d: {  	s3 =	simm.s32 $0x108;
	s8 =	sld [smem:$0x3FB2]  }
0x2e: {  	s3 =	simm.s32 @!p0 $0x1082;
	s9 =	sld [smem:$0x3FB3]  }
0x2f: {  	lr =	sadd.s32 s0, s3;
	s0 =	sld [smem:$0x3FAA]  }
0x30: {  	s3 =	sld [smem:$0x3FAD]  }
0x31: {  	[smem:$0x3FB6] =	sst s10  }
0x32: {  	s10 =	sld [smem:$0x3FB4];
	_ =	sdelay $0x3  }
0x33: {  	p0 =	seq.s32 s10, $0x1;
	s10 =	sld [smem:$0x3FB6];
	_ =	sdelay $0x3  }
0x34: {  	[smem:$0x3FB6] =	sst s10  }
0x35: {  	s10 =	sld [smem:$0x3FB5];
	_ =	sdelay $0x3  }
0x36: {  	p1 =	seq.s32 s10, $0x1;
	s10 =	sld [smem:$0x3FB6];
	_ =	sdelay $0x3  }
0x37: {  	[smem:$0x3FB6] =	sst s10  }
0x38: {  	s10 =	sld [smem:$0x3FB7]  }
0x39: {  	_ = 	snop;
	(pc) =	sbr.ind lr, $3  }
0x3a: {  	_ = 	snop  }
0x3b: {  	_ = 	snop  }
0x3c: {  	p2 =	seq.s32 s10, $0x1;
	s10 =	sld [smem:$0x3FB6]  }
0x3d: {  	_ =	shalt  }
0x3e: {  	_ =	shalt  }
0x3f: {  	_ =	shalt  }
0x40: {  	_ =	shalt  }
0x41: {  	_ =	shalt  }
0x42: {  	_ =	shalt  }
0x43: {  	_ =	shalt  }
0x44: {  	_ =	shalt  }
0x45: {  	_ =	shalt  }
0x46: {  	_ =	shalt  }
0x47: {  	_ =	shalt  }
0x48: {  	_ =	shalt  }
0x49: {  	_ =	shalt  }
0x4a: {  	_ =	shalt  }
0x4b: {  	_ =	shalt  }
0x4c: {  	_ =	shalt  }
0x4d: {  	_ =	shalt  }
0x4e: {  	_ =	shalt  }
0x4f: {  	_ =	shalt  }
0x50: {  	_ =	shalt  }
0x51: {  	_ =	shalt  }
0x52: {  	_ =	shalt  }
0x53: {  	_ =	shalt  }
0x54: {  	_ =	shalt  }
0x55: {  	_ =	shalt  }
0x56: {  	_ =	shalt  }
0x57: {  	_ =	shalt  }
0x58: {  	_ =	shalt  }
0x59: {  	_ =	shalt  }
0x5a: {  	_ =	shalt  }
0x5b: {  	_ =	shalt  }
0x5c: {  	_ =	shalt  }
0x5d: {  	_ =	shalt  }
0x5e: {  	_ =	shalt  }
0x5f: {  	_ =	shalt  }
0x60: {  	_ =	shalt  }
0x61: {  	_ =	shalt  }
0x62: {  	_ =	shalt  }
0x63: {  	_ =	shalt  }
0x64: {  	_ =	shalt  }
0x65: {  	_ =	shalt  }
0x66: {  	_ =	shalt  }
0x67: {  	_ =	shalt  }
0x68: {  	_ =	shalt  }
0x69: {  	_ =	shalt  }
0x6a: {  	_ =	shalt  }
0x6b: {  	_ =	shalt  }
0x6c: {  	_ =	shalt  }
0x6d: {  	_ =	shalt  }
0x6e: {  	_ =	shalt  }
0x6f: {  	_ =	shalt  }
0x70: {  	_ =	shalt  }
0x71: {  	_ =	shalt  }
0x72: {  	_ =	shalt  }
0x73: {  	_ =	shalt  }
0x74: {  	_ =	shalt  }
0x75: {  	_ =	shalt  }
0x76: {  	_ =	shalt  }
0x77: {  	_ =	shalt  }
0x78: {  	_ =	shalt  }
0x79: {  	_ =	shalt  }
0x7a: {  	_ =	shalt  }
0x7b: {  	_ =	shalt  }
0x7c: {  	_ =	shalt  }
0x7d: {  	_ =	shalt  }
0x7e: {  	_ =	shalt  }
0x7f: {  	_ =	shalt  }
0x80: {  	_ =	shalt  }
0x81: {  	_ =	shalt  }
0x82: {  	_ =	shalt  }
0x83: {  	_ =	shalt  }
0x84: {  	_ =	shalt  }
0x85: {  	_ =	shalt  }
0x86: {  	_ =	shalt  }
0x87: {  	_ =	shalt  }
.Lfunc_end0:
.L_simem_size_0:
called_computation_lowered:
.L_overlay_start_0:
0x88: {  	s2 =	sld [smem:$0x3FD9]  }
0x89: {  	s3 =	sld [smem:$0x3FFE];
	_ =	sdelay $0x1  }
0x8a: {  	s1 =	srdreg.scid  }
0x8b: {  	s0 =	sand.u32 $0x1, s1  }
0x8c: {  	s15 =	sshll.u32 s0, $0xA;
	s2 =	sadd.s32 s3, s2  }
0x8d: {  	s2 =	sadd.s32 s2, s15  }
0x8e: {  	[smem:$0x3FC2] =	sst s2  }
0x8f: {  	_ = 	snop  }
0x90: {  	s2 =	sld [smem:$0x3FD0];
	_ =	sdelay $0x2  }
0x91: {  	s4 =	simm.s32 $0xA;
	s5 =	simm.s32 $0x10;
	s16 =	sld [smem:$0x3FC9]  }
0x92: {  	[smem:s5], [sflag:s4] =	dma.local [hbm:s2], $0x1  }
0x93: {  	_ =	swait.eq [sflag:s4], $0x1  }
0x94: {  	[sflag:s4] =	ssyncset.done $0x0  }
0x95: {  	[sflag:s4] =	ssyncadd.s32 $0xFFFFFFFF  }
0x96: {  	s17 =	sld [smem:$0x14];
	(tm) =	ssettm $0x1  }
0x97: {  	s18 =	sld [smem:$0x3FFB];
	_ =	sdelay $0x3  }
0x98: {  	_ =	strace s18  }
0x99: {  	s4 =	sld [smem:$0x3FFC];
	_ =	sdelay $0x3  }
0x9a: {  	_ =	strace s4  }
0x9b: {  	s4 =	sld [smem:$0x3FFD];
	_ =	sdelay $0x3  }
0x9c: {  	_ =	strace s4  }
0x9d: {  	_ =	strace $0x8FFFFFFF  }
0x9e: {  	s19 =	sld [smem:$0x3FDB];
	_ =	sdelay $0x1  }
0x9f: {  	s20 =	simm.s32 $_scs_section_size  }
0xa0: {  	s6 =	simm.s32 $_size__tile_overlayer_lowered;
	s7 =	simm.s32 $_tile_overlayer_lowered  }
0xa1: {  	s23 =	simm.s32 $0x1BFF;
	s22 =	sshll.u32 s7, $0x1;
	s4 =	sadd.s32 s20, s19  }
0xa2: {  	s8 =	simm.s32 $0x0;
	s21 =	sshll.u32 s6, $0x1;
	s6 =	sadd.s32 s22, s4  }
0xa3: {  	[timem:s8], [sflag:s23] =	dma.local [hbm:s6], s21  }
0xa4: {  	_ =	swait.ge [sflag:s23], s21  }
0xa5: {  	s5 =	ssub.s32 $0x0, s21;
	[sflag:s23] =	ssyncset.done $0x0  }
0xa6: {  	[sflag:s23] =	ssyncadd.s32 s5;
	_ =	sdelay $0x1  }
0xa7: {  	s24 =	simm.s32 $0x1B8B  }
0xa8: {  	_ =	swait.ge [sflag:s24], $0x1  }
0xa9: {  	[sflag:s24] =	ssyncset.done $0x0  }
0xaa: {  	s25 =	simm.s32 $0x1B8E;
	[sflag:s24] =	ssyncadd.s32 $0xFFFFFFFF  }
0xab: {  	s26 =	simm.s32 $execute0_lowered;
	[smem:$0x3FD2] =	sst s25  }
0xac: {  	s5 =	sshll.u32 s26, $0x1;
	_ =	strace $0x80000046;
	[dreg:$0x1] =	wrdreg $0xFFFFFFFF  }
0xad: {  	s28 =	simm.s32 $_size_execute0_lowered;
	s4 =	sadd.s32 s4, s5;
	[dreg:$0x0] =	wrdreg $0x0  }
0xae: {  	s5 =	sshll.u32 s28, $0x1;
	[dreg:$0x2] =	wrdreg s4  }
0xaf: {  	[dreg:$0x3] =	wrdreg s5  }
0xb0: {  	[dreg:$0x4] =	wrdreg $0xC0  }
0xb1: {  	_ =	task [dreg:s8], $0x5FFFF  }
0xb2: {  	[dreg:$0x1] =	wrdreg $0xFFFFFFFF  }
0xb3: {  	[dreg:$0x0] =	wrdreg $0x60  }
0xb4: {  	[dreg:$0x2] =	wrdreg s16  }
0xb5: {  	[dreg:$0x3] =	wrdreg s17  }
0xb6: {  	[dreg:$0x4] =	wrdreg $0x9  }
0xb7: {  	_ =	task.clear_ibuf [dreg:s8], $0x5FFFF;
	_ =	strace $0x90000046  }
0xb8: {  	s29 =	simm.s32 $0x9;
	_ =	strace $0x80000048  }
0xb9: {  	_ =	swait.ge [sflag:s29], $0x1  }
0xba: {  	[sflag:s29] =	ssyncadd.s32 $0xFFFFFFFF  }
0xbb: {  	_ =	strace $0x90000048  }
0xbc: {  	_ =	sfence  }
0xbd: {  	s30 =	sld [smem:$0x0];
	_ =	sdelay $0x2  }
0xbe: {  	s31 =	sshll.u32 s1, $0xD;
	s1 =	sshrl.u32 s1, $0x2  }
0xbf: {  	s3 =	sand.u32 $0x4000, s31;
	s1 =	sadd.s32 s1, s30  }
0xc0: {  	s0 =	sor.u32 s3, s0;
	s1 =	sshll.u32 s1, $0x11  }
0xc1: {  	s0 =	sor.u32 s1, s0  }
0xc2: {  	s0 =	sadd.s32 $0x8F2B, s0  }
0xc3: {  	[sflag:s0] =	ssyncadd.remote.s32 $0x1  }
0xc4: {  	_ =	sfence.sel $0xFFFF  }
0xc5: {  	[dreg:$0x0] =	wrdreg $0xFFFFFFFF;
	(pc) =	sbr.abs _section_cstart, $3  }
0xc6: {  	[dreg:$0x1] =	wrdreg $0xFFFFFFFF  }
0xc7: {  	_ =	task.clear_ibuf [dreg:s8], $0x2FFFF;
	_ =	strace $0x9FFFFFFF  }
0xc8: {  	(tm) =	ssettm $0x7FFFFFFF  }
0xc9: {  	_ =	shalt  }
tec
execute0_lowered:
.L_overlay_start_1:
0x0: {  	(tag) =	ssettag $0x1  }
0x1: {  	s6 =	rddreg [dreg:$0x0]  }
0x2: {  	s0 =	srdreg.scid;
	s1 =	rddreg [dreg:$0x1];
	s3 =	simm.s32 $0x0  }
0x3: {  	s2 =	stileid.u32;
	s5 =	sand.u32 $0x1, s0;
	s0 =	rddreg [dreg:$0x2]  }
0x4: {  	s11 =	simm.s32 $0x1;
	s12 =	simm.s32 $0x0;
	[smem:$0x7FF] =	sst s3  }
0x5: {  	s29 =	sshll.u32 s2, $0x1;
	s8 =	sshrl.u32 s2, $0x1;
	s9 =	sand.u32 $0x1, s2  }
0x6: {  	s6 =	sadd.s32 $0xC0000, s6;
	s4 =	ssub.s32 $0x2, s5;
	_ =	strace $0x80000047  }
0x7: {  	s10 =	sshll.u32 s8, $0x12;
	s9 =	sshll.u32 s9, $0x11;
	s30 =	sshll.u32 s5, $0x10  }
0x8: {  	s7 =	sshrl.u32 s4, $0x1;
	s9 =	sor.u32 s9, s10;
	s10 =	simm.s32 $0x400  }
0x9: {  	s7 =	ssub.s32 s4, s7;
	s4 =	sand.u32 $0x2, s29;
	s31 =	sor.u32 s30, s9  }
0xa: {  	v0 =	vlaneseq.u32;
	s9 =	simm.s32 $0x80;
	s4 =	sor.u32 s5, s4;
	s5 =	sshll.u32 s8, $0x4  }
0xb: {  	v0 =	vadd.s32 $0x2A, v0;
	s7 =	smax.u32 s7, $0x1;
	s8 =	sor.u32 $0x600010, s31;
	s4 =	sshll.u32 s4, $0x10  }
.LBB2_1:
0xc: {  	s13 =	smov.u32 s8;
	s14 =	simm.s32 $0x0  }
.LBB2_2:
0xd: {  	s15 =	sadd.s32 $0xFFFFFFF0, s13;
	v1 =	vadd.s32 s13, v0  }
0xe: {  	v2 =	vadd.s32 s15, v0;
	v3 =	vshrl.u32 v1, $0x13;
	v4 =	vshll.u32 v1, $0xD  }
0xf: {  	v5 =	vshrl.u32 v2, $0x13;
	v6 =	vshll.u32 v2, $0xD;
	v3 =	vor.u32 v3, v4  }
0x10: {  	v4 =	vor.u32 v5, v6;
	v3 =	vxor.u32 v1, v3  }
0x11: {  	v4 =	vxor.u32 v2, v4;
	v5 =	vshrl.u32 v3, $0x11;
	v6 =	vshll.u32 v3, $0xF  }
0x12: {  	v1 =	vadd.s32 v1, v3;
	v7 =	vshrl.u32 v4, $0x11;
	v3 =	vor.u32 v5, v6  }
0x13: {  	v2 =	vadd.s32 v2, v4;
	v4 =	vshll.u32 v4, $0xF;
	v3 =	vxor.u32 v1, v3  }
0x14: {  	v4 =	vor.u32 v7, v4;
	v5 =	vshrl.u32 v3, $0x6;
	v6 =	vshll.u32 v3, $0x1A  }
0x15: {  	v4 =	vxor.u32 v2, v4;
	v1 =	vadd.s32 v1, v3;
	v3 =	vor.u32 v5, v6  }
0x16: {  	v5 =	vshrl.u32 v4, $0x6;
	v6 =	vshll.u32 v4, $0x1A;
	v3 =	vxor.u32 v1, v3  }
0x17: {  	v5 =	vor.u32 v5, v6;
	v6 =	vshrl.u32 v3, $0x1A;
	v7 =	vshll.u32 v3, $0x6  }
0x18: {  	v1 =	vadd.s32 v1, v3;
	v3 =	vor.u32 v6, v7  }
0x19: {  	v2 =	vadd.s32 v2, v4;
	v3 =	vxor.u32 v1, v3  }
0x1a: {  	v4 =	vxor.u32 v2, v5;
	v3 =	vadd.s32 $0x1BD11BF1, v3  }
0x1b: {  	v1 =	vadd.s32 v3, v1;
	v6 =	vshrl.u32 v3, $0xF;
	v3 =	vshll.u32 v3, $0x11  }
0x1c: {  	v5 =	vshrl.u32 v4, $0x1A;
	v1 =	vadd.s32 $0x2A, v1;
	v3 =	vor.u32 v6, v3  }
0x1d: {  	v7 =	vshll.u32 v4, $0x6;
	v2 =	vadd.s32 v2, v4;
	v3 =	vxor.u32 v1, v3  }
0x1e: {  	v5 =	vor.u32 v5, v7;
	v4 =	vshrl.u32 v3, $0x3;
	v6 =	vshll.u32 v3, $0x1D  }
0x1f: {  	v5 =	vxor.u32 v2, v5;
	v1 =	vadd.s32 v1, v3;
	v3 =	vor.u32 v4, v6  }
0x20: {  	v4 =	vadd.s32 $0x1BD11BF1, v5;
	v3 =	vxor.u32 v1, v3  }
0x21: {  	v2 =	vadd.s32 v4, v2;
	v5 =	vshrl.u32 v3, $0x10;
	v6 =	vshll.u32 v3, $0x10  }
0x22: {  	v7 =	vshrl.u32 v4, $0xF;
	v1 =	vadd.s32 v1, v3;
	v3 =	vor.u32 v5, v6  }
0x23: {  	v4 =	vshll.u32 v4, $0x11;
	v2 =	vadd.s32 $0x2A, v2;
	v3 =	vxor.u32 v1, v3  }
0x24: {  	v4 =	vor.u32 v7, v4;
	v5 =	vshrl.u32 v3, $0x8;
	v6 =	vshll.u32 v3, $0x18  }
0x25: {  	v4 =	vxor.u32 v2, v4;
	v1 =	vadd.s32 v1, v3;
	v3 =	vor.u32 v5, v6  }
0x26: {  	v5 =	vshrl.u32 v4, $0x3;
	v6 =	vshll.u32 v4, $0x1D;
	v3 =	vxor.u32 v1, v3  }
0x27: {  	v2 =	vadd.s32 v2, v4;
	v4 =	vor.u32 v5, v6;
	v3 =	vadd.s32 $0x2, v3  }
0x28: {  	v1 =	vadd.s32 v3, v1;
	v5 =	vshrl.u32 v3, $0x13;
	v3 =	vshll.u32 v3, $0xD  }
0x29: {  	v4 =	vxor.u32 v2, v4;
	v1 =	vadd.s32 $0x1BD11BF0, v1;
	v3 =	vor.u32 v5, v3  }
0x2a: {  	v6 =	vshll.u32 v4, $0x10;
	v5 =	vshrl.u32 v4, $0x10;
	v3 =	vxor.u32 v1, v3  }
0x2b: {  	v5 =	vor.u32 v5, v6;
	v6 =	vshrl.u32 v3, $0x11;
	v7 =	vshll.u32 v3, $0xF  }
0x2c: {  	v2 =	vadd.s32 v2, v4;
	v1 =	vadd.s32 v1, v3;
	v3 =	vor.u32 v6, v7  }
0x2d: {  	v4 =	vxor.u32 v2, v5;
	v3 =	vxor.u32 v1, v3  }
0x2e: {  	v5 =	vshrl.u32 v4, $0x8;
	v6 =	vshrl.u32 v3, $0x6;
	v7 =	vshll.u32 v3, $0x1A  }
0x2f: {  	v8 =	vshll.u32 v4, $0x18;
	v1 =	vadd.s32 v1, v3;
	v3 =	vor.u32 v6, v7  }
0x30: {  	v2 =	vadd.s32 v2, v4;
	v4 =	vor.u32 v5, v8;
	v3 =	vxor.u32 v1, v3  }
0x31: {  	v4 =	vxor.u32 v2, v4;
	v5 =	vshrl.u32 v3, $0x1A;
	v6 =	vshll.u32 v3, $0x6  }
0x32: {  	v4 =	vadd.s32 $0x2, v4;
	v1 =	vadd.s32 v1, v3;
	v3 =	vor.u32 v5, v6  }
0x33: {  	v2 =	vadd.s32 v4, v2;
	v3 =	vxor.u32 v1, v3  }
0x34: {  	v2 =	vadd.s32 $0x1BD11BF0, v2;
	v5 =	vshrl.u32 v4, $0x13;
	v3 =	vadd.s32 $0x2D, v3  }
0x35: {  	v4 =	vshll.u32 v4, $0xD;
	v6 =	vshrl.u32 v3, $0xF;
	v7 =	vshll.u32 v3, $0x11  }
0x36: {  	v4 =	vor.u32 v5, v4;
	v1 =	vadd.s32 v1, v3;
	v3 =	vor.u32 v6, v7  }
0x37: {  	v4 =	vxor.u32 v2, v4;
	v3 =	vxor.u32 v1, v3  }
0x38: {  	v5 =	vshrl.u32 v4, $0x11;
	v6 =	vshrl.u32 v3, $0x3;
	v7 =	vshll.u32 v3, $0x1D  }
0x39: {  	v8 =	vshll.u32 v4, $0xF;
	v1 =	vadd.s32 v1, v3;
	v3 =	vor.u32 v6, v7  }
0x3a: {  	v2 =	vadd.s32 v2, v4;
	v5 =	vor.u32 v5, v8;
	v3 =	vxor.u32 v1, v3  }
0x3b: {  	v4 =	vxor.u32 v2, v5;
	v5 =	vshrl.u32 v3, $0x10;
	v6 =	vshll.u32 v3, $0x10  }
0x3c: {  	v2 =	vadd.s32 v2, v4;
	v1 =	vadd.s32 v1, v3;
	v3 =	vor.u32 v5, v6  }
0x3d: {  	v7 =	vshrl.u32 v4, $0x6;
	v5 =	vshll.u32 v4, $0x1A;
	v3 =	vxor.u32 v1, v3  }
0x3e: {  	v4 =	vor.u32 v7, v5;
	v5 =	vshrl.u32 v3, $0x8;
	v6 =	vshll.u32 v3, $0x18  }
0x3f: {  	v4 =	vxor.u32 v2, v4;
	v1 =	vadd.s32 v1, v3;
	v3 =	vor.u32 v5, v6  }
0x40: {  	v5 =	vshrl.u32 v4, $0x1A;
	v6 =	vshll.u32 v4, $0x6;
	v3 =	vxor.u32 v1, v3  }
0x41: {  	v2 =	vadd.s32 v2, v4;
	v4 =	vor.u32 v5, v6;
	v3 =	vadd.s32 $0x1BD11BF4, v3  }
0x42: {  	v4 =	vxor.u32 v2, v4;
	v1 =	vadd.s32 v3, v1;
	v5 =	vshrl.u32 v3, $0x13  }
0x43: {  	v3 =	vshll.u32 v3, $0xD;
	v4 =	vadd.s32 $0x2D, v4;
	v1 =	vadd.s32 $0x2A, v1  }
0x44: {  	v3 =	vor.u32 v5, v3;
	v5 =	vshrl.u32 v4, $0xF;
	v8 =	vshll.u32 v4, $0x11  }
0x45: {  	v2 =	vadd.s32 v2, v4;
	v3 =	vxor.u32 v1, v3;
	v4 =	vor.u32 v5, v8  }
0x46: {  	s31 =	sshll.u32 s14, $0xE;
	v6 =	vshrl.u32 v3, $0x11;
	v7 =	vshll.u32 v3, $0xF;
	v4 =	vxor.u32 v2, v4  }
0x47: {  	s15 =	sadd.s32 s4, s31;
	v1 =	vadd.s32 v1, v3;
	v3 =	vor.u32 v6, v7;
	v6 =	vshrl.u32 v4, $0x3  }
0x48: {  	s15 =	sor.u32 s5, s15;
	v7 =	vshll.u32 v4, $0x1D;
	v2 =	vadd.s32 v2, v4;
	v3 =	vxor.u32 v1, v3  }
0x49: {  	s16 =	sadd.s32 s15, s6;
	v4 =	vor.u32 v6, v7;
	v5 =	vshrl.u32 v3, $0x6;
	v8 =	vshll.u32 v3, $0x1A  }
0x4a: {  	[tilespmem:s3], [sflag:$0x1] =	stream.strided.gather [hbm4b:s16+s9], $0x4000, s10, s9, $0x38;
	v1 =	vadd.s32 v1, v3;
	v4 =	vxor.u32 v2, v4;
	v3 =	vor.u32 v5, v8;
	[tilespmem:$0x4000] =	vst v63  }
0x4b: {  	_ =	swait.ge [sflag:s11], $0x4000;
	v5 =	vshrl.u32 v4, $0x10;
	v6 =	vshll.u32 v4, $0x10;
	v3 =	vxor.u32 v1, v3  }
0x4c: {  	[sflag:s11] =	ssyncset.done $0x0;
	v2 =	vadd.s32 v2, v4;
	v5 =	vor.u32 v5, v6;
	v7 =	vshrl.u32 v3, $0x1A  }
0x4d: {  	s16 =	simm.s32 $0x10;
	[sflag:s11] =	ssyncadd.s32 $0xFFFFC000;
	v4 =	vshll.u32 v3, $0x6;
	v1 =	vadd.s32 v1, v3;
	v3 =	vxor.u32 v2, v5  }
0x4e: {  	v5 =	vld [tilespmem:s16+$0x0];
	v4 =	vor.u32 v7, v4;
	v6 =	vshrl.u32 v3, $0x8;
	v7 =	vshll.u32 v3, $0x18  }
0x4f: {  	s17 =	sadd.s32 $0x20, s13;
	v2 =	vadd.s32 v2, v3;
	v4 =	vxor.u32 v1, v4;
	v6 =	vor.u32 v6, v7  }
0x50: {  	s18 =	sadd.s32 $0xFFFFFFF0, s17;
	v1 =	vadd.s32 $0x1BD11BF0, v1;
	v4 =	vadd.s32 $0x5, v4;
	v6 =	vxor.u32 v2, v6  }
0x51: {  	v8 =	vadd.s32 s18, v0;
	v1 =	vxor.u32 v1, v4;
	v4 =	vadd.s32 $0x1BD11BF4, v6  }
0x52: {  	v11 =	vshrl.u32 v8, $0x13;
	v12 =	vshll.u32 v8, $0xD;
	v2 =	vadd.s32 v4, v2  }
0x53: {  	v6 =	vshrl.u32 v4, $0x13;
	v4 =	vshll.u32 v4, $0xD;
	v7 =	vsub.f32 $1.000000000e+00, v5  }
0x54: {  	vm0 =	vlt.u32 v1, $0x19999A00;
	v2 =	vadd.s32 $0x2A, v2;
	v4 =	vor.u32 v6, v4  }
0x55: {  	v6 =	vxor.u32 v2, v4;
	v1 =	vsel vm0, v7, v5;
	v7 =	vadd.s32 s17, v0  }
0x56: {  	v2 =	vadd.s32 v2, v6;
	v9 =	vshrl.u32 v7, $0x13;
	v10 =	vshll.u32 v7, $0xD  }
0x57: {  	v5 =	vshrl.u32 v6, $0x11;
	v6 =	vshll.u32 v6, $0xF;
	v9 =	vor.u32 v9, v10  }
0x58: {  	v5 =	vor.u32 v5, v6;
	v6 =	vor.u32 v11, v12;
	v9 =	vxor.u32 v7, v9  }
0x59: {  	v6 =	vxor.u32 v8, v6;
	v45 =	vshrl.u32 v9, $0x11;
	v46 =	vshll.u32 v9, $0xF  }
0x5a: {  	v47 =	vshrl.u32 v6, $0x11;
	v7 =	vadd.s32 v7, v9;
	v48 =	vor.u32 v45, v46  }
0x5b: {  	v8 =	vadd.s32 v8, v6;
	v6 =	vshll.u32 v6, $0xF;
	v9 =	vxor.u32 v7, v48  }
0x5c: {  	v6 =	vor.u32 v47, v6;
	v49 =	vshrl.u32 v9, $0x6;
	v50 =	vshll.u32 v9, $0x1A  }
0x5d: {  	v6 =	vxor.u32 v8, v6;
	v7 =	vadd.s32 v7, v9;
	v51 =	vor.u32 v49, v50  }
0x5e: {  	v52 =	vshrl.u32 v6, $0x6;
	v9 =	vxor.u32 v7, v51  }
0x5f: {  	v53 =	vshll.u32 v6, $0x1A;
	v54 =	vshrl.u32 v9, $0x1A;
	v55 =	vshll.u32 v9, $0x6  }
0x60: {  	v6 =	vadd.s32 v8, v6;
	v7 =	vadd.s32 v7, v9;
	v8 =	vor.u32 v54, v55  }
0x61: {  	v10 =	vor.u32 v52, v53;
	v8 =	vxor.u32 v7, v8  }
0x62: {  	v5 =	vxor.u32 v2, v5;
	v56 =	vxor.u32 v6, v10;
	v8 =	vadd.s32 $0x1BD11BF1, v8  }
0x63: {  	v7 =	vadd.s32 v8, v7;
	v59 =	vshrl.u32 v8, $0xF;
	v8 =	vshll.u32 v8, $0x11  }
0x64: {  	v58 =	vshrl.u32 v56, $0x1A;
	v7 =	vadd.s32 $0x2A, v7;
	v8 =	vor.u32 v59, v8  }
0x65: {  	v13 =	vshll.u32 v56, $0x6;
	v6 =	vadd.s32 v6, v56;
	v8 =	vxor.u32 v7, v8  }
0x66: {  	v11 =	vor.u32 v58, v13;
	v60 =	vshrl.u32 v8, $0x3;
	v61 =	vshll.u32 v8, $0x1D  }
0x67: {  	v9 =	vxor.u32 v6, v11;
	v7 =	vadd.s32 v7, v8;
	v8 =	vor.u32 v60, v61  }
0x68: {  	v57 =	vshrl.u32 v5, $0x6;
	v9 =	vadd.s32 $0x1BD11BF1, v9;
	v8 =	vxor.u32 v7, v8  }
0x69: {  	v6 =	vadd.s32 v9, v6;
	v63 =	vshrl.u32 v8, $0x10;
	v16 =	vshll.u32 v8, $0x10  }
0x6a: {  	v7 =	vadd.s32 v7, v8;
	v8 =	vshrl.u32 v9, $0xF;
	v9 =	vshll.u32 v9, $0x11  }
0x6b: {  	v6 =	vadd.s32 $0x2A, v6;
	v12 =	vor.u32 v63, v16;
	v8 =	vor.u32 v8, v9  }
0x6c: {  	v62 =	vshll.u32 v5, $0x1A;
	v17 =	vxor.u32 v7, v12;
	v8 =	vxor.u32 v6, v8  }
0x6d: {  	v18 =	vshrl.u32 v17, $0x8;
	v12 =	vshll.u32 v17, $0x18;
	v7 =	vadd.s32 v7, v17  }
0x6e: {  	v20 =	vshrl.u32 v8, $0x3;
	v21 =	vshll.u32 v8, $0x1D;
	v19 =	vor.u32 v18, v12  }
0x6f: {  	v6 =	vadd.s32 v6, v8;
	v8 =	vor.u32 v20, v21;
	v9 =	vxor.u32 v7, v19  }
0x70: {  	v2 =	vadd.s32 v2, v5;
	v8 =	vxor.u32 v6, v8;
	v9 =	vadd.s32 $0x2, v9  }
0x71: {  	v7 =	vadd.s32 v9, v7;
	v22 =	vshrl.u32 v9, $0x13;
	v9 =	vshll.u32 v9, $0xD  }
0x72: {  	v23 =	vshrl.u32 v8, $0x10;
	v7 =	vadd.s32 $0x1BD11BF0, v7;
	v9 =	vor.u32 v22, v9  }
0x73: {  	v24 =	vshll.u32 v8, $0x10;
	v6 =	vadd.s32 v6, v8;
	v9 =	vxor.u32 v7, v9  }
0x74: {  	v3 =	vld [tilespmem:s16+$0xFFFFFFF0];
	v11 =	vor.u32 v23, v24;
	v25 =	vshrl.u32 v9, $0x11;
	v26 =	vshll.u32 v9, $0xF  }
0x75: {  	v5 =	vxor.u32 v6, v11;
	v7 =	vadd.s32 v7, v9;
	v8 =	vor.u32 v25, v26  }
0x76: {  	v27 =	vshrl.u32 v5, $0x8;
	v30 =	vshll.u32 v5, $0x18;
	v8 =	vxor.u32 v7, v8  }
0x77: {  	v5 =	vadd.s32 v6, v5;
	v28 =	vshrl.u32 v8, $0x6;
	v29 =	vshll.u32 v8, $0x1A  }
0x78: {  	v6 =	vor.u32 v27, v30;
	v7 =	vadd.s32 v7, v8;
	v8 =	vor.u32 v28, v29  }
0x79: {  	v4 =	vsub.f32 $1.000000000e+00, v3;
	v6 =	vxor.u32 v5, v6;
	v8 =	vxor.u32 v7, v8  }
0x7a: {  	v6 =	vadd.s32 $0x2, v6;
	v31 =	vshrl.u32 v8, $0x1A;
	v32 =	vshll.u32 v8, $0x6  }
0x7b: {  	v5 =	vadd.s32 v6, v5;
	v7 =	vadd.s32 v7, v8;
	v8 =	vor.u32 v31, v32  }
0x7c: {  	v33 =	vshrl.u32 v6, $0x13;
	v6 =	vshll.u32 v6, $0xD;
	v8 =	vxor.u32 v7, v8  }
0x7d: {  	v5 =	vadd.s32 $0x1BD11BF0, v5;
	v6 =	vor.u32 v33, v6;
	v8 =	vadd.s32 $0x2D, v8  }
0x7e: {  	v6 =	vxor.u32 v5, v6;
	v34 =	vshrl.u32 v8, $0xF;
	v35 =	vshll.u32 v8, $0x11  }
0x7f: {  	v36 =	vshrl.u32 v6, $0x11;
	v7 =	vadd.s32 v7, v8;
	v8 =	vor.u32 v34, v35  }
0x80: {  	v37 =	vshll.u32 v6, $0xF;
	v5 =	vadd.s32 v5, v6;
	v8 =	vxor.u32 v7, v8  }
0x81: {  	v9 =	vor.u32 v36, v37;
	v38 =	vshrl.u32 v8, $0x3;
	v39 =	vshll.u32 v8, $0x1D  }
0x82: {  	v9 =	vxor.u32 v5, v9;
	v6 =	vadd.s32 v7, v8;
	v7 =	vor.u32 v38, v39  }
0x83: {  	v42 =	vshrl.u32 v9, $0x6;
	v43 =	vshll.u32 v9, $0x1A;
	v7 =	vxor.u32 v6, v7  }
0x84: {  	v5 =	vadd.s32 v5, v9;
	v40 =	vshrl.u32 v7, $0x10;
	v41 =	vshll.u32 v7, $0x10  }
0x85: {  	v44 =	vor.u32 v42, v43;
	v6 =	vadd.s32 v6, v7;
	v7 =	vor.u32 v40, v41  }
0x86: {  	v10 =	vor.u32 v57, v62;
	v9 =	vxor.u32 v5, v44;
	v7 =	vxor.u32 v6, v7  }
0x87: {  	v47 =	vshrl.u32 v9, $0x1A;
	v45 =	vshrl.u32 v7, $0x8;
	v46 =	vshll.u32 v7, $0x18  }
0x88: {  	v48 =	vshll.u32 v9, $0x6;
	v6 =	vadd.s32 v6, v7;
	v7 =	vor.u32 v45, v46  }
0x89: {  	v5 =	vadd.s32 v5, v9;
	v8 =	vxor.u32 v2, v10;
	v7 =	vxor.u32 v6, v7  }
0x8a: {  	v49 =	vor.u32 v47, v48;
	v10 =	vshrl.u32 v8, $0x1A;
	v7 =	vadd.s32 $0x1BD11BF4, v7  }
0x8b: {  	v6 =	vadd.s32 v7, v6;
	v50 =	vshrl.u32 v7, $0x13;
	v7 =	vshll.u32 v7, $0xD  }
0x8c: {  	v9 =	vxor.u32 v5, v49;
	v6 =	vadd.s32 $0x2A, v6;
	v7 =	vor.u32 v50, v7  }
0x8d: {  	v51 =	vshll.u32 v8, $0x6;
	v9 =	vadd.s32 $0x2D, v9;
	v7 =	vxor.u32 v6, v7  }
0x8e: {  	v54 =	vshll.u32 v9, $0x11;
	v52 =	vshrl.u32 v7, $0x11;
	v53 =	vshll.u32 v7, $0xF  }
0x8f: {  	v6 =	vadd.s32 v6, v7;
	v7 =	vshrl.u32 v9, $0xF;
	v12 =	vor.u32 v52, v53  }
0x90: {  	v5 =	vadd.s32 v5, v9;
	v7 =	vor.u32 v7, v54;
	v55 =	vxor.u32 v6, v12  }
0x91: {  	v2 =	vadd.s32 v2, v8;
	v7 =	vxor.u32 v5, v7;
	v12 =	vshrl.u32 v55, $0x6  }
0x92: {  	v56 =	vshll.u32 v55, $0x1A;
	v6 =	vadd.s32 v6, v55;
	v57 =	vshrl.u32 v7, $0x3  }
0x93: {  	s18 =	simm.s32 $0x30;
	[tilespmem:s16+$0x0] =	vst v1;
	v1 =	vadd.s32 v5, v7;
	v5 =	vshll.u32 v7, $0x1D;
	v12 =	vor.u32 v12, v56  }
0x94: {  	v58 =	vld [tilespmem:s18+$0x0];
	v61 =	vor.u32 v10, v51;
	v5 =	vor.u32 v57, v5;
	v7 =	vxor.u32 v6, v12  }
0x95: {  	v5 =	vxor.u32 v1, v5;
	v59 =	vshrl.u32 v7, $0x1A;
	v60 =	vshll.u32 v7, $0x6  }
0x96: {  	v6 =	vadd.s32 v6, v7;
	v62 =	vshrl.u32 v5, $0x10;
	v7 =	vor.u32 v59, v60  }
0x97: {  	v63 =	vshll.u32 v5, $0x10;
	v5 =	vadd.s32 v1, v5;
	v7 =	vxor.u32 v6, v7  }
0x98: {  	v10 =	vor.u32 v62, v63;
	v6 =	vadd.s32 $0x1BD11BF0, v6;
	v7 =	vadd.s32 $0x5, v7  }
0x99: {  	v1 =	vxor.u32 v6, v7;
	v6 =	vsub.f32 $1.000000000e+00, v58;
	v7 =	vxor.u32 v5, v10  }
0x9a: {  	vm14 =	vlt.u32 v1, $0x19999A00;
	v8 =	vshrl.u32 v7, $0x8;
	v10 =	vshll.u32 v7, $0x18  }
0x9b: {  	v1 =	vld [tilespmem:s18+$0xFFFFFFF0];
	v5 =	vadd.s32 v5, v7;
	v7 =	vor.u32 v8, v10;
	v8 =	vxor.u32 v2, v61  }
0x9c: {  	v2 =	vadd.s32 $0x1BD11BF0, v2;
	v7 =	vxor.u32 v5, v7;
	v8 =	vadd.s32 $0x5, v8  }
0x9d: {  	v6 =	vsel vm14, v6, v58;
	v7 =	vadd.s32 $0x1BD11BF4, v7;
	v2 =	vxor.u32 v2, v8  }
0x9e: {  	v5 =	vadd.s32 v7, v5;
	v8 =	vshrl.u32 v7, $0x13;
	v7 =	vshll.u32 v7, $0xD  }
0x9f: {  	vm15 =	vlt.u32 v2, $0x19999A00;
	v5 =	vadd.s32 $0x2A, v5;
	v7 =	vor.u32 v8, v7  }
0xa0: {  	s19 =	simm.s32 $0x2;
	[tilespmem:s18+$0x0] =	vst v6;
	v2 =	vsub.f32 $1.000000000e+00, v1;
	v3 =	vsel vm15, v4, v3;
	v6 =	vxor.u32 v5, v7  }
.LBB2_3:
0xa1: {  	s19 =	sadd.s32 $0x2, s19;
	v4 =	vadd.s32 v5, v6;
	v5 =	vshrl.u32 v6, $0x11;
	v6 =	vshll.u32 v6, $0xF;
	s17 =	sadd.s32 $0x20, s17;
	[tilespmem:s16+$0xFFFFFFF0] =	vst v3;
	s16 =	smov.u32 s18  }
0xa2: {  	s20 =	sadd.s32 $0xFFFFFFF0, s17;
	v3 =	vadd.s32 s17, v0;
	p0 =	slt.u32 s19, $0x3FE;
	v5 =	vor.u32 v5, v6  }
0xa3: {  	v6 =	vadd.s32 s20, v0;
	v7 =	vshrl.u32 v3, $0x13;
	v8 =	vshll.u32 v3, $0xD  }
0xa4: {  	v9 =	vshrl.u32 v6, $0x13;
	v10 =	vshll.u32 v6, $0xD;
	v7 =	vor.u32 v7, v8  }
0xa5: {  	v5 =	vxor.u32 v4, v5;
	v8 =	vor.u32 v9, v10;
	v7 =	vxor.u32 v3, v7  }
0xa6: {  	v8 =	vxor.u32 v6, v8;
	v9 =	vshrl.u32 v7, $0x11;
	v10 =	vshll.u32 v7, $0xF  }
0xa7: {  	v3 =	vadd.s32 v3, v7;
	v11 =	vshrl.u32 v8, $0x11;
	v7 =	vor.u32 v9, v10  }
0xa8: {  	v6 =	vadd.s32 v6, v8;
	v8 =	vshll.u32 v8, $0xF;
	v7 =	vxor.u32 v3, v7  }
0xa9: {  	v8 =	vor.u32 v11, v8;
	v9 =	vshrl.u32 v7, $0x6;
	v10 =	vshll.u32 v7, $0x1A  }
0xaa: {  	v8 =	vxor.u32 v6, v8;
	v3 =	vadd.s32 v3, v7;
	v7 =	vor.u32 v9, v10  }
0xab: {  	v9 =	vshrl.u32 v8, $0x6;
	v10 =	vshll.u32 v8, $0x1A;
	v7 =	vxor.u32 v3, v7  }
0xac: {  	v9 =	vor.u32 v9, v10;
	v10 =	vshrl.u32 v7, $0x1A;
	v11 =	vshll.u32 v7, $0x6  }
0xad: {  	v6 =	vadd.s32 v6, v8;
	v3 =	vadd.s32 v3, v7;
	v7 =	vor.u32 v10, v11  }
0xae: {  	v8 =	vxor.u32 v6, v9;
	v9 =	vshrl.u32 v5, $0x6;
	v7 =	vxor.u32 v3, v7  }
0xaf: {  	v10 =	vshrl.u32 v8, $0x1A;
	v11 =	vshll.u32 v8, $0x6;
	v7 =	vadd.s32 $0x1BD11BF1, v7  }
0xb0: {  	v3 =	vadd.s32 v7, v3;
	v12 =	vshrl.u32 v7, $0xF;
	v7 =	vshll.u32 v7, $0x11  }
0xb1: {  	v10 =	vor.u32 v10, v11;
	v3 =	vadd.s32 $0x2A, v3;
	v7 =	vor.u32 v12, v7  }
0xb2: {  	v6 =	vadd.s32 v6, v8;
	v8 =	vshll.u32 v5, $0x1A;
	v7 =	vxor.u32 v3, v7  }
0xb3: {  	v10 =	vxor.u32 v6, v10;
	v11 =	vshrl.u32 v7, $0x3;
	v12 =	vshll.u32 v7, $0x1D  }
0xb4: {  	v10 =	vadd.s32 $0x1BD11BF1, v10;
	v3 =	vadd.s32 v3, v7;
	v7 =	vor.u32 v11, v12  }
0xb5: {  	v6 =	vadd.s32 v10, v6;
	v11 =	vshrl.u32 v10, $0xF;
	v7 =	vxor.u32 v3, v7  }
0xb6: {  	v10 =	vshll.u32 v10, $0x11;
	v12 =	vshrl.u32 v7, $0x10;
	v13 =	vshll.u32 v7, $0x10  }
0xb7: {  	v6 =	vadd.s32 $0x2A, v6;
	v3 =	vadd.s32 v3, v7;
	v7 =	vor.u32 v12, v13  }
0xb8: {  	v8 =	vor.u32 v9, v8;
	v10 =	vor.u32 v11, v10;
	v7 =	vxor.u32 v3, v7  }
0xb9: {  	v9 =	vxor.u32 v6, v10;
	v10 =	vshrl.u32 v7, $0x8;
	v11 =	vshll.u32 v7, $0x18  }
0xba: {  	v12 =	vshrl.u32 v9, $0x3;
	v7 =	vadd.s32 v3, v7;
	v3 =	vor.u32 v10, v11  }
0xbb: {  	v6 =	vadd.s32 v6, v9;
	v9 =	vshll.u32 v9, $0x1D;
	v3 =	vxor.u32 v7, v3  }
0xbc: {  	v9 =	vor.u32 v12, v9;
	v10 =	vadd.s32 $0x2, v3;
	v3 =	vadd.s32 v4, v5  }
0xbd: {  	v4 =	vadd.s32 v10, v7;
	v5 =	vshrl.u32 v10, $0x13;
	v7 =	vshll.u32 v10, $0xD  }
0xbe: {  	v9 =	vxor.u32 v6, v9;
	v4 =	vadd.s32 $0x1BD11BF0, v4;
	v5 =	vor.u32 v5, v7  }
0xbf: {  	v10 =	vshll.u32 v9, $0x10;
	v7 =	vshrl.u32 v9, $0x10;
	v5 =	vxor.u32 v4, v5  }
0xc0: {  	v7 =	vor.u32 v7, v10;
	v10 =	vshrl.u32 v5, $0x11;
	v11 =	vshll.u32 v5, $0xF  }
0xc1: {  	v6 =	vadd.s32 v6, v9;
	v5 =	vadd.s32 v4, v5;
	v4 =	vor.u32 v10, v11  }
0xc2: {  	v7 =	vxor.u32 v6, v7;
	v9 =	vxor.u32 v5, v4;
	v4 =	vxor.u32 v3, v8  }
0xc3: {  	v8 =	vshrl.u32 v7, $0x8;
	v10 =	vshrl.u32 v9, $0x6;
	v11 =	vshll.u32 v9, $0x1A  }
0xc4: {  	v12 =	vshll.u32 v7, $0x18;
	v5 =	vadd.s32 v5, v9;
	v9 =	vor.u32 v10, v11  }
0xc5: {  	v6 =	vadd.s32 v6, v7;
	v7 =	vor.u32 v8, v12;
	v8 =	vxor.u32 v5, v9  }
0xc6: {  	v7 =	vxor.u32 v6, v7;
	v9 =	vshrl.u32 v8, $0x1A;
	v10 =	vshll.u32 v8, $0x6  }
0xc7: {  	v7 =	vadd.s32 $0x2, v7;
	v5 =	vadd.s32 v5, v8;
	v8 =	vor.u32 v9, v10  }
0xc8: {  	v6 =	vadd.s32 v7, v6;
	v9 =	vshrl.u32 v7, $0x13;
	v8 =	vxor.u32 v5, v8  }
0xc9: {  	v6 =	vadd.s32 $0x1BD11BF0, v6;
	v7 =	vshll.u32 v7, $0xD;
	v8 =	vadd.s32 $0x2D, v8  }
0xca: {  	v7 =	vor.u32 v9, v7;
	v9 =	vshrl.u32 v8, $0xF;
	v10 =	vshll.u32 v8, $0x11  }
0xcb: {  	v7 =	vxor.u32 v6, v7;
	v5 =	vadd.s32 v5, v8;
	v8 =	vor.u32 v9, v10  }
0xcc: {  	v9 =	vshrl.u32 v7, $0x11;
	v10 =	vshll.u32 v7, $0xF;
	v8 =	vxor.u32 v5, v8  }
0xcd: {  	v9 =	vor.u32 v9, v10;
	v10 =	vshrl.u32 v8, $0x3;
	v11 =	vshll.u32 v8, $0x1D  }
0xce: {  	v6 =	vadd.s32 v6, v7;
	v5 =	vadd.s32 v5, v8;
	v7 =	vor.u32 v10, v11  }
0xcf: {  	v8 =	vxor.u32 v6, v9;
	v9 =	vshrl.u32 v4, $0x1A;
	v7 =	vxor.u32 v5, v7  }
0xd0: {  	v10 =	vshrl.u32 v8, $0x6;
	v11 =	vshrl.u32 v7, $0x10;
	v12 =	vshll.u32 v7, $0x10  }
0xd1: {  	v13 =	vshll.u32 v8, $0x1A;
	v5 =	vadd.s32 v5, v7;
	v7 =	vor.u32 v11, v12  }
0xd2: {  	v6 =	vadd.s32 v6, v8;
	v8 =	vor.u32 v10, v13;
	v7 =	vxor.u32 v5, v7  }
0xd3: {  	v8 =	vxor.u32 v6, v8;
	v10 =	vshrl.u32 v7, $0x8;
	v11 =	vshll.u32 v7, $0x18  }
0xd4: {  	v12 =	vshrl.u32 v8, $0x1A;
	v5 =	vadd.s32 v5, v7;
	v7 =	vor.u32 v10, v11  }
0xd5: {  	v6 =	vadd.s32 v6, v8;
	v8 =	vshll.u32 v8, $0x6;
	v7 =	vxor.u32 v5, v7  }
0xd6: {  	v8 =	vor.u32 v12, v8;
	v10 =	vshll.u32 v4, $0x6;
	v7 =	vadd.s32 $0x1BD11BF4, v7  }
0xd7: {  	v5 =	vadd.s32 v7, v5;
	v11 =	vshrl.u32 v7, $0x13;
	v7 =	vshll.u32 v7, $0xD  }
0xd8: {  	v8 =	vxor.u32 v6, v8;
	v5 =	vadd.s32 $0x2A, v5;
	v7 =	vor.u32 v11, v7  }
0xd9: {  	v8 =	vadd.s32 $0x2D, v8;
	v9 =	vor.u32 v9, v10;
	v7 =	vxor.u32 v5, v7  }
0xda: {  	v10 =	vshrl.u32 v8, $0xF;
	v11 =	vshrl.u32 v7, $0x11;
	v12 =	vshll.u32 v7, $0xF  }
0xdb: {  	v13 =	vshll.u32 v8, $0x11;
	v5 =	vadd.s32 v5, v7;
	v7 =	vor.u32 v11, v12  }
0xdc: {  	v6 =	vadd.s32 v6, v8;
	v8 =	vor.u32 v10, v13;
	v7 =	vxor.u32 v5, v7  }
0xdd: {  	v8 =	vxor.u32 v6, v8;
	v10 =	vshrl.u32 v7, $0x6;
	v11 =	vshll.u32 v7, $0x1A  }
0xde: {  	s18 =	sadd.s32 $0x20, s18;
	v12 =	vshrl.u32 v8, $0x3;
	v5 =	vadd.s32 v5, v7;
	v7 =	vor.u32 v10, v11  }
0xdf: {  	v6 =	vadd.s32 v6, v8;
	v8 =	vshll.u32 v8, $0x1D;
	v7 =	vxor.u32 v5, v7;
	v10 =	vld [tilespmem:s18+$0x0]  }
0xe0: {  	v8 =	vor.u32 v12, v8;
	v11 =	vld [tilespmem:s18+$0xFFFFFFF0];
	v12 =	vshrl.u32 v7, $0x1A;
	v13 =	vshll.u32 v7, $0x6  }
0xe1: {  	v8 =	vxor.u32 v6, v8;
	v5 =	vadd.s32 v5, v7;
	v7 =	vor.u32 v12, v13  }
0xe2: {  	v12 =	vshrl.u32 v8, $0x10;
	v13 =	vshll.u32 v8, $0x10;
	v7 =	vxor.u32 v5, v7  }
0xe3: {  	v12 =	vor.u32 v12, v13;
	v5 =	vadd.s32 $0x1BD11BF0, v5;
	v7 =	vadd.s32 $0x5, v7  }
0xe4: {  	v6 =	vadd.s32 v6, v8;
	v5 =	vxor.u32 v5, v7;
	v7 =	vsub.f32 $1.000000000e+00, v10  }
0xe5: {  	v3 =	vadd.s32 v3, v4;
	v8 =	vxor.u32 v6, v12;
	vm0 =	vlt.u32 v5, $0x19999A00  }
0xe6: {  	v4 =	vshrl.u32 v8, $0x8;
	v5 =	vshll.u32 v8, $0x18;
	v7 =	vsel vm0, v7, v10  }
0xe7: {  	v6 =	vadd.s32 v6, v8;
	v4 =	vor.u32 v4, v5;
	v5 =	vxor.u32 v3, v9;
	[tilespmem:s18+$0x0] =	vst v7  }
.Ltmp0:
0xe8: {  	v3 =	vadd.s32 $0x1BD11BF0, v3;
	v4 =	vxor.u32 v6, v4;
	v5 =	vadd.s32 $0x5, v5;
	(pc) =	sbr.rel @p0 .LBB2_3-.Ltmp0, $4  }
0xe9: {  	v7 =	vsub.f32 $1.000000000e+00, v11;
	v4 =	vadd.s32 $0x1BD11BF4, v4;
	v3 =	vxor.u32 v3, v5  }
0xea: {  	v5 =	vadd.s32 v4, v6;
	v6 =	vshrl.u32 v4, $0x13;
	v4 =	vshll.u32 v4, $0xD  }
0xeb: {  	vm0 =	vlt.u32 v3, $0x19999A00;
	v5 =	vadd.s32 $0x2A, v5;
	v4 =	vor.u32 v6, v4  }
0xec: {  	v3 =	vsel vm0, v2, v1;
	v1 =	vmovc v11;
	v2 =	vmov v7;
	v6 =	vxor.u32 v5, v4  }
0xed: {  	v4 =	vshrl.u32 v6, $0x11;
	v7 =	vshll.u32 v6, $0xF  }
0xee: {  	v5 =	vadd.s32 v5, v6;
	v4 =	vor.u32 v4, v7  }
0xef: {  	v4 =	vxor.u32 v5, v4  }
0xf0: {  	v61 =	vshrl.u32 v4, $0x6;
	v62 =	vshll.u32 v4, $0x1A  }
0xf1: {  	v4 =	vadd.s32 v5, v4;
	v6 =	vor.u32 v61, v62  }
0xf2: {  	v5 =	vxor.u32 v4, v6  }
0xf3: {  	v6 =	vshrl.u32 v5, $0x1A;
	v63 =	vshll.u32 v5, $0x6  }
0xf4: {  	v4 =	vadd.s32 v4, v5;
	v6 =	vor.u32 v6, v63  }
0xf5: {  	v5 =	vxor.u32 v4, v6  }
0xf6: {  	v4 =	vadd.s32 $0x1BD11BF0, v4;
	v5 =	vadd.s32 $0x5, v5  }
0xf7: {  	v4 =	vxor.u32 v4, v5  }
0xf8: {  	s14 =	sadd.s32 $0x1, s14;
	vm0 =	vlt.u32 v4, $0x19999A00  }
0xf9: {  	[tilespmem:s16+$0xFFFFFFF0] =	vst v3;
	p0 =	sne.s32 s14, $0x4;
	v1 =	vsel vm0, v2, v1  }
.Ltmp1:
0xfa: {  	s15 =	sadd.s32 s1, s15;
	[tilespmem:s18+$0xFFFFFFF0] =	vst v1;
	(pc) =	sbr.rel @p0 .LBB2_2-.Ltmp1, $4  }
0xfb: {  	[hbm4b:s15+s9] =	stream.strided.scatter [tilespmem:s3], [sflag:$0x1], $0x4000, s10, s9, $0x38;
	[tilespmem:$0x4000] =	vst v63  }
0xfc: {  	_ =	swait.ge [sflag:s11], $0x4000  }
0xfd: {  	[sflag:s11] =	ssyncset.done $0x0  }
0xfe: {  	s13 =	sadd.s32 $0x4000, s13;
	[sflag:s11] =	ssyncadd.s32 $0xFFFFC000  }
0xff: {  	s12 =	sadd.s32 $0x1, s12  }
0x100: {  	p0 =	sne.s32 s12, s7  }
.Ltmp2:
0x101: {  	_ = 	snop;
	(pc) =	sbr.rel @p0 .LBB2_1-.Ltmp2, $1  }
0x102: {  	_ =	sdelay $0x3  }
0x103: {  	_ =	sfence.sel $0x180000  }
0x104: {  	[bflag:$0x0] =	sbarrier.arrive $0xFFFF  }
0x105: {  	p0 =	sne.s32 s2, $0x0;
	_ =	strace $0x90000047  }
0x106: {  	s0 =	sadd.s32 @!p0 $0x100000, s0;
	[bflag:$0x2] =	sbarrier.arrive $0xFFFF  }
0x107: {  	[sflag:s0] =	ssyncadd.tile.s32 @!p0 $0x1;
	_ =	shalt  }
.Lfunc_end2:
_tile_overlayer_lowered:
.L_overlay_start_2:
0x108: {  	(tag) =	ssettag $0x2  }
0x109: {  	s0 =	rddreg [dreg:$0x0];
	s2 =	stileid.u32  }
0x10a: {  	s1 =	rddreg [dreg:$0x1];
	p0 =	sne.s32 s2, $0x0  }
0x10b: {  	s3 =	rddreg [dreg:$0x2];
	[bflag:$0x3] =	sbarrier.arrive $0xFFFF;
	s2 =	simm.s32 @!p0 $0x1C01  }
0x10c: {  	[timem:s3], [sflag:s2] =	dma.local @!p0 [hbm:s0], s1  }
0x10d: {  	s0 =	simm.s32 @!p0 $0x1  }
0x10e: {  	_ =	swait.ge @!p0 [sflag:s0], s1  }
0x10f: {  	s1 =	ssub.s32 @!p0 $0x0, s1;
	[sflag:s0] =	ssyncset.done @!p0 $0x0  }
0x110: {  	[sflag:s0] =	ssyncadd.s32 @!p0 s1  }
0x111: {  	[bflag:$0x3] =	sbarrier.arrive $0xFFFF  }
0x112: {  	_ =	shalt  }

</sc_bundles>
